<compile_context>
chip_gen: v7x
topology: tpu7x:2x2x1
jax: 0.10.2.dev20260603
libtpu: 0.0.44.dev20260713+nightly
codegen_flags: <defaults>
</compile_context>

<pallas_src>
import functools

import jax
import jax.numpy as jnp
from jax import lax
from jax.experimental import pallas as pl
from jax.experimental.pallas import tpu as pltpu
from jax.experimental.pallas import tpu_sc as plsc

_NC = 2
_NS = 16
_CH = 128
_SPLITS = (8192, 4096, 4096)
_BLK = 2048


def _sc_gather(nodes, table, betweenness, closeness, row0, B):
  D = table.shape[1]
  nw = _NC * _NS
  b_per_w = B // nw
  n_ch = b_per_w // _CH

  mesh = plsc.VectorSubcoreMesh(core_axis_name="c", subcore_axis_name="s")

  @functools.partial(
      pl.kernel,
      mesh=mesh,
      out_type=(
          jax.ShapeDtypeStruct((B, D), jnp.float32),
          jax.ShapeDtypeStruct((2, B), jnp.float32),
      ),
      scratch_types=[
          pltpu.VMEM((n_ch, _CH), jnp.int32),
          pltpu.VMEM((b_per_w, D), jnp.float32),
          pltpu.VMEM((b_per_w,), jnp.float32),
          pltpu.VMEM((b_per_w,), jnp.float32),
          pltpu.SemaphoreType.DMA,
          pltpu.SemaphoreType.DMA,
      ],
  )
  def gather_kernel(nodes_hbm, table_hbm, bw_hbm, cl_hbm,
                    feats_out, bwcl_out,
                    idx_v, rows_v, bw_v, cl_v, sem, wsem):
    wid = lax.axis_index("s") * _NC + lax.axis_index("c")
    base = wid * b_per_w
    for j in range(n_ch):
      pltpu.sync_copy(nodes_hbm.at[pl.ds(row0 + base + j * _CH, _CH)],
                      idx_v.at[j])
    copies = []
    for j in range(n_ch):
      idx_j = idx_v.at[j]
      copies.append(pltpu.async_copy(
          table_hbm.at[idx_j], rows_v.at[pl.ds(j * _CH, _CH)], sem))
      copies.append(pltpu.async_copy(
          bw_hbm.at[idx_j], bw_v.at[pl.ds(j * _CH, _CH)], sem))
      copies.append(pltpu.async_copy(
          cl_hbm.at[idx_j], cl_v.at[pl.ds(j * _CH, _CH)], sem))
    writes = []
    for j in range(n_ch):
      copies[3 * j].wait()
      copies[3 * j + 1].wait()
      copies[3 * j + 2].wait()
      writes.append(pltpu.async_copy(
          rows_v.at[pl.ds(j * _CH, _CH)],
          feats_out.at[pl.ds(base + j * _CH, _CH)], wsem))
    writes.append(pltpu.async_copy(
        bw_v, bwcl_out.at[0, pl.ds(base, b_per_w)], wsem))
    writes.append(pltpu.async_copy(
        cl_v, bwcl_out.at[1, pl.ds(base, b_per_w)], wsem))
    for w in writes:
      w.wait()

  return gather_kernel(nodes, table, betweenness, closeness)


def _combine_body(feats_ref, bwcl_ref, wfc_ref, wce_ref,
                  bfc_ref, bce_ref, out_ref):
  acc = lax.dot_general(
      feats_ref[...], wfc_ref[...],
      dimension_numbers=(((1,), (1,)), ((), ())),
      preferred_element_type=jnp.float32,
  )
  cent = lax.dot_general(
      bwcl_ref[...], wce_ref[...],
      dimension_numbers=(((0,), (1,)), ((), ())),
      preferred_element_type=jnp.float32,
  )
  out_ref[...] = acc + cent + bfc_ref[...] + bce_ref[...]


def _tc_combine_chunk(acc, feats, bwcl, W_fc, W_ce, b_fc, b_ce, row0, B):
  Bc, D = feats.shape
  grid = (Bc // _BLK,)
  blk0 = row0 // _BLK
  in_specs = [
      pl.BlockSpec((_BLK, D), lambda i: (i, 0)),
      pl.BlockSpec((2, _BLK), lambda i: (0, i)),
      pl.BlockSpec((D, D), lambda i: (0, 0)),
      pl.BlockSpec((D, 2), lambda i: (0, 0)),
      pl.BlockSpec((1, D), lambda i: (0, 0)),
      pl.BlockSpec((1, D), lambda i: (0, 0)),
  ]
  args = [feats, bwcl, W_fc, W_ce, b_fc, b_ce]
  body = _combine_body
  aliases = {}
  if acc is not None:
    in_specs.insert(0, pl.BlockSpec((8, D), lambda i: (0, 0)))
    args.insert(0, acc)
    aliases = {0: 0}
    body = lambda a, *rest: _combine_body(*rest)
  return pl.pallas_call(
      body,
      grid=grid,
      in_specs=in_specs,
      out_specs=pl.BlockSpec((_BLK, D), lambda i: (blk0 + i, 0)),
      out_shape=jax.ShapeDtypeStruct((B, D), jnp.float32),
      input_output_aliases=aliases,
  )(*args)


def kernel(nodes, node_feat_table, betweenness, closeness,
           W_fc, b_fc, W_ce, b_ce):
  nodes = nodes.astype(jnp.int32)
  B = nodes.shape[0]
  b_fc2 = b_fc.reshape(1, -1)
  b_ce2 = b_ce.reshape(1, -1)

  row0s = [sum(_SPLITS[:c]) for c in range(len(_SPLITS))]
  gathered = []
  for c, bc in enumerate(_SPLITS):
    gathered.append(_sc_gather(nodes, node_feat_table, betweenness,
                               closeness, row0s[c], bc))

  acc = None
  for c, bc in enumerate(_SPLITS):
    feats, bwcl = gathered[c]
    acc = _tc_combine_chunk(acc, feats, bwcl, W_fc, W_ce, b_fc2, b_ce2,
                            row0s[c], B)
  return acc

# --- scband reference (transcript-rebuilt; emitter-appended) ---
"""Pipeline reference for scband-centrality-aware-encoder-38165079392509 (READ-ONLY COPY).

The authoritative reference and input builder live on the scoring server;
editing this copy changes nothing except your own understanding.
"""

import jax, jax.numpy as jnp
import numpy as np

N_NODES = 100000
D_FEAT = 128
EMBED = 128
B = 16384

def setup_inputs(seed: int = 0) -> dict:
    key = jax.random.key(seed)
    ks = jax.random.split(key, 8)
    nodes = jax.random.randint(ks[0], (B,), 0, N_NODES)
    node_feat_table = jax.random.normal(ks[1], (N_NODES, D_FEAT), dtype=jnp.float32)
    betweenness = jax.random.uniform(ks[2], (N_NODES,), dtype=jnp.float32)
    closeness = jax.random.uniform(ks[3], (N_NODES,), dtype=jnp.float32)
    # kaiming-normal init like the torch module
    W_fc = jax.random.normal(ks[4], (EMBED, D_FEAT), dtype=jnp.float32) * np.sqrt(2.0 / D_FEAT)
    b_fc = jnp.full((EMBED,), 0.01, dtype=jnp.float32)
    W_ce = jax.random.normal(ks[5], (EMBED, 2), dtype=jnp.float32) * np.sqrt(2.0 / 2)
    b_ce = jnp.full((EMBED,), 0.01, dtype=jnp.float32)
    return {"nodes": nodes, "node_feat_table": node_feat_table, "betweenness": betweenness, "closeness": closeness, "W_fc": W_fc, "b_fc": b_fc, "W_ce": W_ce, "b_ce": b_ce}

def reference(nodes, node_feat_table, betweenness, closeness, W_fc, b_fc, W_ce, b_ce):
    # self_feats = node_features(nodes)  -> embedding gather
    self_feats = jnp.take(node_feat_table, nodes, axis=0)
    # centrality lookups + stack([betweenness, closeness], dim=1)
    bw = jnp.take(betweenness, nodes, axis=0)
    cl = jnp.take(closeness, nodes, axis=0)
    central_feats = jnp.stack([bw, cl], axis=1)
    central_feats_encoded = central_feats @ W_ce.T + b_ce
    combined_feats = self_feats @ W_fc.T + b_fc + central_feats_encoded
    return combined_feats

if __name__ == "__main__":
    import jax
    _d = setup_inputs()
    print(jax.jit(kernel)(*tuple(_d.values())))

</pallas_src>

<mosaic_0001>
#map = affine_map<(d0, d1) -> (0)>
#map1 = affine_map<(d0, d1) -> (0, 0)>
module attributes {stable_mosaic.version = 14 : i64} {
  func.func @gather_kernel(%arg0: i32, %arg1: i32, %arg2: memref<16384xi32, #tpu.memory_space<hbm>>, %arg3: memref<100000x128xf32, #tpu.memory_space<hbm>>, %arg4: memref<100000xf32, #tpu.memory_space<hbm>>, %arg5: memref<100000xf32, #tpu.memory_space<hbm>>, %arg6: memref<4096x128xf32, #tpu.memory_space<hbm>>, %arg7: memref<2x4096xf32, #tpu.memory_space<hbm>>, %arg8: memref<1x128xi32, #tpu.memory_space<vmem>>, %arg9: memref<128x128xf32, #tpu.memory_space<vmem>>, %arg10: memref<128xf32, #tpu.memory_space<vmem>>, %arg11: memref<128xf32, #tpu.memory_space<vmem>>, %arg12: memref<!tpu.dma_semaphore, #tpu.memory_space<semaphore_mem>>, %arg13: memref<!tpu.dma_semaphore, #tpu.memory_space<semaphore_mem>>) attributes {dimension_semantics = [#tpu.dimension_semantics<core_parallel>, #tpu.dimension_semantics<subcore_parallel>], iteration_bounds = array<i64: 2, 16>, scalar_prefetch = 0 : i64, scratch_operands = 6 : i64, tpu.core_type = #tpu.core_type<sc_vector_subcore>, window_params = [{transform_indices = #map}, {transform_indices = #map1}, {transform_indices = #map}, {transform_indices = #map}, {transform_indices = #map1}, {transform_indices = #map1}]} {
    %mul3A = arith.constant 2 : i32
    %mul3A_0 = arith.muli %arg1, %mul3A : i32
    %add3A = arith.addi %mul3A_0, %arg0 : i32
    %mul3A_1 = arith.constant 128 : i32
    %mul3A_2 = arith.muli %add3A, %mul3A_1 : i32
    %add3A_3 = arith.constant 12288 : i32
    %add3A_4 = arith.addi %add3A_3, %mul3A_2 : i32
    %add3A_5 = arith.constant 0 : i32
    %add3A_6 = arith.addi %add3A_4, %add3A_5 : i32
    %run_scoped3A = arith.constant 0 : i32
    "tpu.region"() ({
      %run_scoped3A_99 = tpu.sem_alloc : memref<!tpu.dma_semaphore, #tpu.memory_space<semaphore_mem>>
      %dma_start3A_100 = arith.constant 0 : i32
      %dma_start3A_101 = tpu.memref_slice %arg8[%run_scoped3A, %dma_start3A_100] : memref<1x128xi32, #tpu.memory_space<vmem>> -> memref<1x128xi32, #tpu.memory_space<vmem>>
      %dma_start3A_102 = tpu.memref_squeeze %dma_start3A_101 : memref<1x128xi32, #tpu.memory_space<vmem>> -> memref<128xi32, #tpu.memory_space<vmem>>
      %dma_start3A_103 = tpu.memref_slice %arg2[%add3A_6] : memref<16384xi32, #tpu.memory_space<hbm>> -> memref<128xi32, #tpu.memory_space<hbm>>
      %dma_start3A_104 = arith.constant 0 : i32
      %dma_start3A_105 = tpu.memref_slice %arg8[%run_scoped3A, %dma_start3A_104] : memref<1x128xi32, #tpu.memory_space<vmem>> -> memref<1x128xi32, #tpu.memory_space<vmem>>
      %dma_start3A_106 = tpu.memref_squeeze %dma_start3A_105 : memref<1x128xi32, #tpu.memory_space<vmem>> -> memref<128xi32, #tpu.memory_space<vmem>>
      %dma_start3A_107 = tpu.memref_slice %arg2[%add3A_6] : memref<16384xi32, #tpu.memory_space<hbm>> -> memref<128xi32, #tpu.memory_space<hbm>>
      tpu.enqueue_dma source(%dma_start3A_107 : memref<128xi32, #tpu.memory_space<hbm>>) target(%dma_start3A_106 : memref<128xi32, #tpu.memory_space<vmem>>) target_semaphore(%run_scoped3A_99 : memref<!tpu.dma_semaphore, #tpu.memory_space<semaphore_mem>>)
      %dma_wait3A_108 = arith.constant 0 : i32
      %dma_wait3A_109 = tpu.memref_slice %arg8[%run_scoped3A, %dma_wait3A_108] : memref<1x128xi32, #tpu.memory_space<vmem>> -> memref<1x128xi32, #tpu.memory_space<vmem>>
      %dma_wait3A_110 = tpu.memref_squeeze %dma_wait3A_109 : memref<1x128xi32, #tpu.memory_space<vmem>> -> memref<128xi32, #tpu.memory_space<vmem>>
      %dma_wait3A_111 = tpu.memref_slice %arg2[%add3A_6] : memref<16384xi32, #tpu.memory_space<hbm>> -> memref<128xi32, #tpu.memory_space<hbm>>
      %dma_wait3A_112 = arith.constant 0 : i32
      %dma_wait3A_113 = tpu.memref_slice %arg8[%run_scoped3A, %dma_wait3A_112] : memref<1x128xi32, #tpu.memory_space<vmem>> -> memref<1x128xi32, #tpu.memory_space<vmem>>
      %dma_wait3A_114 = tpu.memref_squeeze %dma_wait3A_113 : memref<1x128xi32, #tpu.memory_space<vmem>> -> memref<128xi32, #tpu.memory_space<vmem>>
      %dma_wait3A_115 = tpu.memref_slice %arg2[%add3A_6] : memref<16384xi32, #tpu.memory_space<hbm>> -> memref<128xi32, #tpu.memory_space<hbm>>
      tpu.wait_dma2 semaphore(%run_scoped3A_99 : memref<!tpu.dma_semaphore, #tpu.memory_space<semaphore_mem>>) src(%dma_wait3A_115 : memref<128xi32, #tpu.memory_space<hbm>>) dst(%dma_wait3A_114 : memref<128xi32, #tpu.memory_space<vmem>>)
      tpu.yield
    }) : () -> ()
    %dma_start3A = arith.constant 0 : i32
    %dma_start3A_7 = arith.constant 0 : i32
    %dma_start3A_8 = arith.constant 0 : i32
    %dma_start3A_9 = tpu.memref_slice %arg9[%dma_start3A_7, %dma_start3A_8] : memref<128x128xf32, #tpu.memory_space<vmem>> -> memref<128x128xf32, #tpu.memory_space<vmem>>
    %dma_start3A_10 = arith.constant 0 : i32
    %dma_start3A_11 = tpu.memref_slice %arg8[%dma_start3A, %dma_start3A_10] : memref<1x128xi32, #tpu.memory_space<vmem>> -> memref<1x128xi32, #tpu.memory_space<vmem>>
    %dma_start3A_12 = tpu.memref_squeeze %dma_start3A_11 : memref<1x128xi32, #tpu.memory_space<vmem>> -> memref<128xi32, #tpu.memory_space<vmem>>
    %dma_start3A_13 = arith.constant 0 : i32
    %dma_start3A_14 = arith.constant 0 : i32
    %dma_start3A_15 = tpu.memref_slice %arg3[%dma_start3A_13, %dma_start3A_14] : memref<100000x128xf32, #tpu.memory_space<hbm>> -> memref<100000x128xf32, #tpu.memory_space<hbm>>
    tpu.enqueue_indirect_dma source(%dma_start3A_15 : memref<100000x128xf32, #tpu.memory_space<hbm>>) target(%dma_start3A_9 : memref<128x128xf32, #tpu.memory_space<vmem>>) offsets(%dma_start3A_12 : memref<128xi32, #tpu.memory_space<vmem>>) semaphore(%arg12 : memref<!tpu.dma_semaphore, #tpu.memory_space<semaphore_mem>>)
    %dma_start3A_16 = arith.constant 0 : i32
    %dma_start3A_17 = arith.constant 0 : i32
    %dma_start3A_18 = tpu.memref_slice %arg10[%dma_start3A_17] : memref<128xf32, #tpu.memory_space<vmem>> -> memref<128xf32, #tpu.memory_space<vmem>>
    %dma_start3A_19 = arith.constant 0 : i32
    %dma_start3A_20 = tpu.memref_slice %arg8[%dma_start3A_16, %dma_start3A_19] : memref<1x128xi32, #tpu.memory_space<vmem>> -> memref<1x128xi32, #tpu.memory_space<vmem>>
    %dma_start3A_21 = tpu.memref_squeeze %dma_start3A_20 : memref<1x128xi32, #tpu.memory_space<vmem>> -> memref<128xi32, #tpu.memory_space<vmem>>
    %dma_start3A_22 = arith.constant 0 : i32
    %dma_start3A_23 = tpu.memref_slice %arg4[%dma_start3A_22] : memref<100000xf32, #tpu.memory_space<hbm>> -> memref<100000xf32, #tpu.memory_space<hbm>>
    tpu.enqueue_indirect_dma source(%dma_start3A_23 : memref<100000xf32, #tpu.memory_space<hbm>>) target(%dma_start3A_18 : memref<128xf32, #tpu.memory_space<vmem>>) offsets(%dma_start3A_21 : memref<128xi32, #tpu.memory_space<vmem>>) semaphore(%arg12 : memref<!tpu.dma_semaphore, #tpu.memory_space<semaphore_mem>>)
    %dma_start3A_24 = arith.constant 0 : i32
    %dma_start3A_25 = arith.constant 0 : i32
    %dma_start3A_26 = tpu.memref_slice %arg11[%dma_start3A_25] : memref<128xf32, #tpu.memory_space<vmem>> -> memref<128xf32, #tpu.memory_space<vmem>>
    %dma_start3A_27 = arith.constant 0 : i32
    %dma_start3A_28 = tpu.memref_slice %arg8[%dma_start3A_24, %dma_start3A_27] : memref<1x128xi32, #tpu.memory_space<vmem>> -> memref<1x128xi32, #tpu.memory_space<vmem>>
    %dma_start3A_29 = tpu.memref_squeeze %dma_start3A_28 : memref<1x128xi32, #tpu.memory_space<vmem>> -> memref<128xi32, #tpu.memory_space<vmem>>
    %dma_start3A_30 = arith.constant 0 : i32
    %dma_start3A_31 = tpu.memref_slice %arg5[%dma_start3A_30] : memref<100000xf32, #tpu.memory_space<hbm>> -> memref<100000xf32, #tpu.memory_space<hbm>>
    tpu.enqueue_indirect_dma source(%dma_start3A_31 : memref<100000xf32, #tpu.memory_space<hbm>>) target(%dma_start3A_26 : memref<128xf32, #tpu.memory_space<vmem>>) offsets(%dma_start3A_29 : memref<128xi32, #tpu.memory_space<vmem>>) semaphore(%arg12 : memref<!tpu.dma_semaphore, #tpu.memory_space<semaphore_mem>>)
    %dma_wait3A = arith.constant 0 : i32
    %dma_wait3A_32 = arith.constant 0 : i32
    %dma_wait3A_33 = arith.constant 0 : i32
    %dma_wait3A_34 = tpu.memref_slice %arg9[%dma_wait3A_32, %dma_wait3A_33] : memref<128x128xf32, #tpu.memory_space<vmem>> -> memref<128x128xf32, #tpu.memory_space<vmem>>
    %dma_wait3A_35 = arith.constant 0 : i32
    %dma_wait3A_36 = tpu.memref_slice %arg8[%dma_wait3A, %dma_wait3A_35] : memref<1x128xi32, #tpu.memory_space<vmem>> -> memref<1x128xi32, #tpu.memory_space<vmem>>
    %dma_wait3A_37 = tpu.memref_squeeze %dma_wait3A_36 : memref<1x128xi32, #tpu.memory_space<vmem>> -> memref<128xi32, #tpu.memory_space<vmem>>
    %dma_wait3A_38 = arith.constant 0 : i32
    %dma_wait3A_39 = arith.constant 0 : i32
    %dma_wait3A_40 = tpu.memref_slice %arg3[%dma_wait3A_38, %dma_wait3A_39] : memref<100000x128xf32, #tpu.memory_space<hbm>> -> memref<100000x128xf32, #tpu.memory_space<hbm>>
    tpu.wait_indirect_dma semaphore(%arg12 : memref<!tpu.dma_semaphore, #tpu.memory_space<semaphore_mem>>) src(%dma_wait3A_40 : memref<100000x128xf32, #tpu.memory_space<hbm>>) dst(%dma_wait3A_34 : memref<128x128xf32, #tpu.memory_space<vmem>>)
    %dma_wait3A_41 = arith.constant 0 : i32
    %dma_wait3A_42 = arith.constant 0 : i32
    %dma_wait3A_43 = tpu.memref_slice %arg10[%dma_wait3A_42] : memref<128xf32, #tpu.memory_space<vmem>> -> memref<128xf32, #tpu.memory_space<vmem>>
    %dma_wait3A_44 = arith.constant 0 : i32
    %dma_wait3A_45 = tpu.memref_slice %arg8[%dma_wait3A_41, %dma_wait3A_44] : memref<1x128xi32, #tpu.memory_space<vmem>> -> memref<1x128xi32, #tpu.memory_space<vmem>>
    %dma_wait3A_46 = tpu.memref_squeeze %dma_wait3A_45 : memref<1x128xi32, #tpu.memory_space<vmem>> -> memref<128xi32, #tpu.memory_space<vmem>>
    %dma_wait3A_47 = arith.constant 0 : i32
    %dma_wait3A_48 = tpu.memref_slice %arg4[%dma_wait3A_47] : memref<100000xf32, #tpu.memory_space<hbm>> -> memref<100000xf32, #tpu.memory_space<hbm>>
    tpu.wait_indirect_dma semaphore(%arg12 : memref<!tpu.dma_semaphore, #tpu.memory_space<semaphore_mem>>) src(%dma_wait3A_48 : memref<100000xf32, #tpu.memory_space<hbm>>) dst(%dma_wait3A_43 : memref<128xf32, #tpu.memory_space<vmem>>)
    %dma_wait3A_49 = arith.constant 0 : i32
    %dma_wait3A_50 = arith.constant 0 : i32
    %dma_wait3A_51 = tpu.memref_slice %arg11[%dma_wait3A_50] : memref<128xf32, #tpu.memory_space<vmem>> -> memref<128xf32, #tpu.memory_space<vmem>>
    %dma_wait3A_52 = arith.constant 0 : i32
    %dma_wait3A_53 = tpu.memref_slice %arg8[%dma_wait3A_49, %dma_wait3A_52] : memref<1x128xi32, #tpu.memory_space<vmem>> -> memref<1x128xi32, #tpu.memory_space<vmem>>
    %dma_wait3A_54 = tpu.memref_squeeze %dma_wait3A_53 : memref<1x128xi32, #tpu.memory_space<vmem>> -> memref<128xi32, #tpu.memory_space<vmem>>
    %dma_wait3A_55 = arith.constant 0 : i32
    %dma_wait3A_56 = tpu.memref_slice %arg5[%dma_wait3A_55] : memref<100000xf32, #tpu.memory_space<hbm>> -> memref<100000xf32, #tpu.memory_space<hbm>>
    tpu.wait_indirect_dma semaphore(%arg12 : memref<!tpu.dma_semaphore, #tpu.memory_space<semaphore_mem>>) src(%dma_wait3A_56 : memref<100000xf32, #tpu.memory_space<hbm>>) dst(%dma_wait3A_51 : memref<128xf32, #tpu.memory_space<vmem>>)
    %add3A_57 = arith.constant 0 : i32
    %add3A_58 = arith.addi %mul3A_2, %add3A_57 : i32
    %dma_start3A_59 = arith.constant 0 : i32
    %dma_start3A_60 = arith.constant 0 : i32
    %dma_start3A_61 = tpu.memref_slice %arg9[%dma_start3A_59, %dma_start3A_60] : memref<128x128xf32, #tpu.memory_space<vmem>> -> memref<128x128xf32, #tpu.memory_space<vmem>>
    %dma_start3A_62 = arith.constant 0 : i32
    %dma_start3A_63 = tpu.memref_slice %arg6[%add3A_58, %dma_start3A_62] : memref<4096x128xf32, #tpu.memory_space<hbm>> -> memref<128x128xf32, #tpu.memory_space<hbm>>
    %dma_start3A_64 = arith.constant 0 : i32
    %dma_start3A_65 = tpu.memref_slice %arg6[%add3A_58, %dma_start3A_64] : memref<4096x128xf32, #tpu.memory_space<hbm>> -> memref<128x128xf32, #tpu.memory_space<hbm>>
    %dma_start3A_66 = arith.constant 0 : i32
    %dma_start3A_67 = arith.constant 0 : i32
    %dma_start3A_68 = tpu.memref_slice %arg9[%dma_start3A_66, %dma_start3A_67] : memref<128x128xf32, #tpu.memory_space<vmem>> -> memref<128x128xf32, #tpu.memory_space<vmem>>
    tpu.enqueue_dma source(%dma_start3A_68 : memref<128x128xf32, #tpu.memory_space<vmem>>) target(%dma_start3A_65 : memref<128x128xf32, #tpu.memory_space<hbm>>) target_semaphore(%arg13 : memref<!tpu.dma_semaphore, #tpu.memory_space<semaphore_mem>>)
    %dma_start3A_69 = arith.constant 0 : i32
    %dma_start3A_70 = tpu.memref_slice %arg7[%dma_start3A_69, %mul3A_2] : memref<2x4096xf32, #tpu.memory_space<hbm>> -> memref<1x128xf32, #tpu.memory_space<hbm>>
    %dma_start3A_71 = tpu.memref_squeeze %dma_start3A_70 : memref<1x128xf32, #tpu.memory_space<hbm>> -> memref<128xf32, #tpu.memory_space<hbm>>
    %dma_start3A_72 = tpu.memref_slice %arg7[%dma_start3A_69, %mul3A_2] : memref<2x4096xf32, #tpu.memory_space<hbm>> -> memref<1x128xf32, #tpu.memory_space<hbm>>
    %dma_start3A_73 = tpu.memref_squeeze %dma_start3A_72 : memref<1x128xf32, #tpu.memory_space<hbm>> -> memref<128xf32, #tpu.memory_space<hbm>>
    tpu.enqueue_dma source(%arg10 : memref<128xf32, #tpu.memory_space<vmem>>) target(%dma_start3A_73 : memref<128xf32, #tpu.memory_space<hbm>>) target_semaphore(%arg13 : memref<!tpu.dma_semaphore, #tpu.memory_space<semaphore_mem>>)
    %dma_start3A_74 = arith.constant 1 : i32
    %dma_start3A_75 = tpu.memref_slice %arg7[%dma_start3A_74, %mul3A_2] : memref<2x4096xf32, #tpu.memory_space<hbm>> -> memref<1x128xf32, #tpu.memory_space<hbm>>
    %dma_start3A_76 = tpu.memref_squeeze %dma_start3A_75 : memref<1x128xf32, #tpu.memory_space<hbm>> -> memref<128xf32, #tpu.memory_space<hbm>>
    %dma_start3A_77 = tpu.memref_slice %arg7[%dma_start3A_74, %mul3A_2] : memref<2x4096xf32, #tpu.memory_space<hbm>> -> memref<1x128xf32, #tpu.memory_space<hbm>>
    %dma_start3A_78 = tpu.memref_squeeze %dma_start3A_77 : memref<1x128xf32, #tpu.memory_space<hbm>> -> memref<128xf32, #tpu.memory_space<hbm>>
    tpu.enqueue_dma source(%arg11 : memref<128xf32, #tpu.memory_space<vmem>>) target(%dma_start3A_78 : memref<128xf32, #tpu.memory_space<hbm>>) target_semaphore(%arg13 : memref<!tpu.dma_semaphore, #tpu.memory_space<semaphore_mem>>)
    %dma_wait3A_79 = arith.constant 0 : i32
    %dma_wait3A_80 = arith.constant 0 : i32
    %dma_wait3A_81 = tpu.memref_slice %arg9[%dma_wait3A_79, %dma_wait3A_80] : memref<128x128xf32, #tpu.memory_space<vmem>> -> memref<128x128xf32, #tpu.memory_space<vmem>>
    %dma_wait3A_82 = arith.constant 0 : i32
    %dma_wait3A_83 = tpu.memref_slice %arg6[%add3A_58, %dma_wait3A_82] : memref<4096x128xf32, #tpu.memory_space<hbm>> -> memref<128x128xf32, #tpu.memory_space<hbm>>
    %dma_wait3A_84 = arith.constant 0 : i32
    %dma_wait3A_85 = tpu.memref_slice %arg6[%add3A_58, %dma_wait3A_84] : memref<4096x128xf32, #tpu.memory_space<hbm>> -> memref<128x128xf32, #tpu.memory_space<hbm>>
    %dma_wait3A_86 = arith.constant 0 : i32
    %dma_wait3A_87 = arith.constant 0 : i32
    %dma_wait3A_88 = tpu.memref_slice %arg9[%dma_wait3A_86, %dma_wait3A_87] : memref<128x128xf32, #tpu.memory_space<vmem>> -> memref<128x128xf32, #tpu.memory_space<vmem>>
    tpu.wait_dma2 semaphore(%arg13 : memref<!tpu.dma_semaphore, #tpu.memory_space<semaphore_mem>>) src(%dma_wait3A_88 : memref<128x128xf32, #tpu.memory_space<vmem>>) dst(%dma_wait3A_85 : memref<128x128xf32, #tpu.memory_space<hbm>>)
    %dma_wait3A_89 = arith.constant 0 : i32
    %dma_wait3A_90 = tpu.memref_slice %arg7[%dma_wait3A_89, %mul3A_2] : memref<2x4096xf32, #tpu.memory_space<hbm>> -> memref<1x128xf32, #tpu.memory_space<hbm>>
    %dma_wait3A_91 = tpu.memref_squeeze %dma_wait3A_90 : memref<1x128xf32, #tpu.memory_space<hbm>> -> memref<128xf32, #tpu.memory_space<hbm>>
    %dma_wait3A_92 = tpu.memref_slice %arg7[%dma_wait3A_89, %mul3A_2] : memref<2x4096xf32, #tpu.memory_space<hbm>> -> memref<1x128xf32, #tpu.memory_space<hbm>>
    %dma_wait3A_93 = tpu.memref_squeeze %dma_wait3A_92 : memref<1x128xf32, #tpu.memory_space<hbm>> -> memref<128xf32, #tpu.memory_space<hbm>>
    tpu.wait_dma2 semaphore(%arg13 : memref<!tpu.dma_semaphore, #tpu.memory_space<semaphore_mem>>) src(%arg10 : memref<128xf32, #tpu.memory_space<vmem>>) dst(%dma_wait3A_93 : memref<128xf32, #tpu.memory_space<hbm>>)
    %dma_wait3A_94 = arith.constant 1 : i32
    %dma_wait3A_95 = tpu.memref_slice %arg7[%dma_wait3A_94, %mul3A_2] : memref<2x4096xf32, #tpu.memory_space<hbm>> -> memref<1x128xf32, #tpu.memory_space<hbm>>
    %dma_wait3A_96 = tpu.memref_squeeze %dma_wait3A_95 : memref<1x128xf32, #tpu.memory_space<hbm>> -> memref<128xf32, #tpu.memory_space<hbm>>
    %dma_wait3A_97 = tpu.memref_slice %arg7[%dma_wait3A_94, %mul3A_2] : memref<2x4096xf32, #tpu.memory_space<hbm>> -> memref<1x128xf32, #tpu.memory_space<hbm>>
    %dma_wait3A_98 = tpu.memref_squeeze %dma_wait3A_97 : memref<1x128xf32, #tpu.memory_space<hbm>> -> memref<128xf32, #tpu.memory_space<hbm>>
    tpu.wait_dma2 semaphore(%arg13 : memref<!tpu.dma_semaphore, #tpu.memory_space<semaphore_mem>>) src(%arg11 : memref<128xf32, #tpu.memory_space<vmem>>) dst(%dma_wait3A_98 : memref<128xf32, #tpu.memory_space<hbm>>)
    return
  }
}

#map = affine_map<(d0, d1) -> (0)>
#map1 = affine_map<(d0, d1) -> (0, 0)>
module attributes {stable_mosaic.version = 14 : i64} {
  func.func @gather_kernel(%arg0: i32, %arg1: i32, %arg2: memref<16384xi32, #tpu.memory_space<hbm>>, %arg3: memref<100000x128xf32, #tpu.memory_space<hbm>>, %arg4: memref<100000xf32, #tpu.memory_space<hbm>>, %arg5: memref<100000xf32, #tpu.memory_space<hbm>>, %arg6: memref<8192x128xf32, #tpu.memory_space<hbm>>, %arg7: memref<2x8192xf32, #tpu.memory_space<hbm>>, %arg8: memref<2x128xi32, #tpu.memory_space<vmem>>, %arg9: memref<256x128xf32, #tpu.memory_space<vmem>>, %arg10: memref<256xf32, #tpu.memory_space<vmem>>, %arg11: memref<256xf32, #tpu.memory_space<vmem>>, %arg12: memref<!tpu.dma_semaphore, #tpu.memory_space<semaphore_mem>>, %arg13: memref<!tpu.dma_semaphore, #tpu.memory_space<semaphore_mem>>) attributes {dimension_semantics = [#tpu.dimension_semantics<core_parallel>, #tpu.dimension_semantics<subcore_parallel>], iteration_bounds = array<i64: 2, 16>, scalar_prefetch = 0 : i64, scratch_operands = 6 : i64, tpu.core_type = #tpu.core_type<sc_vector_subcore>, window_params = [{transform_indices = #map}, {transform_indices = #map1}, {transform_indices = #map}, {transform_indices = #map}, {transform_indices = #map1}, {transform_indices = #map1}]} {
    %mul3A = arith.constant 2 : i32
    %mul3A_0 = arith.muli %arg1, %mul3A : i32
    %add3A = arith.addi %mul3A_0, %arg0 : i32
    %mul3A_1 = arith.constant 256 : i32
    %mul3A_2 = arith.muli %add3A, %mul3A_1 : i32
    %add3A_3 = arith.constant 0 : i32
    %add3A_4 = arith.addi %add3A_3, %mul3A_2 : i32
    %add3A_5 = arith.constant 0 : i32
    %add3A_6 = arith.addi %add3A_4, %add3A_5 : i32
    %run_scoped3A = arith.constant 0 : i32
    "tpu.region"() ({
      %run_scoped3A_178 = tpu.sem_alloc : memref<!tpu.dma_semaphore, #tpu.memory_space<semaphore_mem>>
      %dma_start3A_179 = arith.constant 0 : i32
      %dma_start3A_180 = tpu.memref_slice %arg8[%run_scoped3A, %dma_start3A_179] : memref<2x128xi32, #tpu.memory_space<vmem>> -> memref<1x128xi32, #tpu.memory_space<vmem>>
      %dma_start3A_181 = tpu.memref_squeeze %dma_start3A_180 : memref<1x128xi32, #tpu.memory_space<vmem>> -> memref<128xi32, #tpu.memory_space<vmem>>
      %dma_start3A_182 = tpu.memref_slice %arg2[%add3A_6] : memref<16384xi32, #tpu.memory_space<hbm>> -> memref<128xi32, #tpu.memory_space<hbm>>
      %dma_start3A_183 = arith.constant 0 : i32
      %dma_start3A_184 = tpu.memref_slice %arg8[%run_scoped3A, %dma_start3A_183] : memref<2x128xi32, #tpu.memory_space<vmem>> -> memref<1x128xi32, #tpu.memory_space<vmem>>
      %dma_start3A_185 = tpu.memref_squeeze %dma_start3A_184 : memref<1x128xi32, #tpu.memory_space<vmem>> -> memref<128xi32, #tpu.memory_space<vmem>>
      %dma_start3A_186 = tpu.memref_slice %arg2[%add3A_6] : memref<16384xi32, #tpu.memory_space<hbm>> -> memref<128xi32, #tpu.memory_space<hbm>>
      tpu.enqueue_dma source(%dma_start3A_186 : memref<128xi32, #tpu.memory_space<hbm>>) target(%dma_start3A_185 : memref<128xi32, #tpu.memory_space<vmem>>) target_semaphore(%run_scoped3A_178 : memref<!tpu.dma_semaphore, #tpu.memory_space<semaphore_mem>>)
      %dma_wait3A_187 = arith.constant 0 : i32
      %dma_wait3A_188 = tpu.memref_slice %arg8[%run_scoped3A, %dma_wait3A_187] : memref<2x128xi32, #tpu.memory_space<vmem>> -> memref<1x128xi32, #tpu.memory_space<vmem>>
      %dma_wait3A_189 = tpu.memref_squeeze %dma_wait3A_188 : memref<1x128xi32, #tpu.memory_space<vmem>> -> memref<128xi32, #tpu.memory_space<vmem>>
      %dma_wait3A_190 = tpu.memref_slice %arg2[%add3A_6] : memref<16384xi32, #tpu.memory_space<hbm>> -> memref<128xi32, #tpu.memory_space<hbm>>
      %dma_wait3A_191 = arith.constant 0 : i32
      %dma_wait3A_192 = tpu.memref_slice %arg8[%run_scoped3A, %dma_wait3A_191] : memref<2x128xi32, #tpu.memory_space<vmem>> -> memref<1x128xi32, #tpu.memory_space<vmem>>
      %dma_wait3A_193 = tpu.memref_squeeze %dma_wait3A_192 : memref<1x128xi32, #tpu.memory_space<vmem>> -> memref<128xi32, #tpu.memory_space<vmem>>
      %dma_wait3A_194 = tpu.memref_slice %arg2[%add3A_6] : memref<16384xi32, #tpu.memory_space<hbm>> -> memref<128xi32, #tpu.memory_space<hbm>>
      tpu.wait_dma2 semaphore(%run_scoped3A_178 : memref<!tpu.dma_semaphore, #tpu.memory_space<semaphore_mem>>) src(%dma_wait3A_194 : memref<128xi32, #tpu.memory_space<hbm>>) dst(%dma_wait3A_193 : memref<128xi32, #tpu.memory_space<vmem>>)
      tpu.yield
    }) : () -> ()
    %add3A_7 = arith.constant 0 : i32
    %add3A_8 = arith.addi %add3A_7, %mul3A_2 : i32
    %add3A_9 = arith.constant 128 : i32
    %add3A_10 = arith.addi %add3A_8, %add3A_9 : i32
    %run_scoped3A_11 = arith.constant 1 : i32
    "tpu.region"() ({
      %run_scoped3A_178 = tpu.sem_alloc : memref<!tpu.dma_semaphore, #tpu.memory_space<semaphore_mem>>
      %dma_start3A_179 = arith.constant 0 : i32
      %dma_start3A_180 = tpu.memref_slice %arg8[%run_scoped3A_11, %dma_start3A_179] : memref<2x128xi32, #tpu.memory_space<vmem>> -> memref<1x128xi32, #tpu.memory_space<vmem>>
      %dma_start3A_181 = tpu.memref_squeeze %dma_start3A_180 : memref<1x128xi32, #tpu.memory_space<vmem>> -> memref<128xi32, #tpu.memory_space<vmem>>
      %dma_start3A_182 = tpu.memref_slice %arg2[%add3A_10] : memref<16384xi32, #tpu.memory_space<hbm>> -> memref<128xi32, #tpu.memory_space<hbm>>
      %dma_start3A_183 = arith.constant 0 : i32
      %dma_start3A_184 = tpu.memref_slice %arg8[%run_scoped3A_11, %dma_start3A_183] : memref<2x128xi32, #tpu.memory_space<vmem>> -> memref<1x128xi32, #tpu.memory_space<vmem>>
      %dma_start3A_185 = tpu.memref_squeeze %dma_start3A_184 : memref<1x128xi32, #tpu.memory_space<vmem>> -> memref<128xi32, #tpu.memory_space<vmem>>
      %dma_start3A_186 = tpu.memref_slice %arg2[%add3A_10] : memref<16384xi32, #tpu.memory_space<hbm>> -> memref<128xi32, #tpu.memory_space<hbm>>
      tpu.enqueue_dma source(%dma_start3A_186 : memref<128xi32, #tpu.memory_space<hbm>>) target(%dma_start3A_185 : memref<128xi32, #tpu.memory_space<vmem>>) target_semaphore(%run_scoped3A_178 : memref<!tpu.dma_semaphore, #tpu.memory_space<semaphore_mem>>)
      %dma_wait3A_187 = arith.constant 0 : i32
      %dma_wait3A_188 = tpu.memref_slice %arg8[%run_scoped3A_11, %dma_wait3A_187] : memref<2x128xi32, #tpu.memory_space<vmem>> -> memref<1x128xi32, #tpu.memory_space<vmem>>
      %dma_wait3A_189 = tpu.memref_squeeze %dma_wait3A_188 : memref<1x128xi32, #tpu.memory_space<vmem>> -> memref<128xi32, #tpu.memory_space<vmem>>
      %dma_wait3A_190 = tpu.memref_slice %arg2[%add3A_10] : memref<16384xi32, #tpu.memory_space<hbm>> -> memref<128xi32, #tpu.memory_space<hbm>>
      %dma_wait3A_191 = arith.constant 0 : i32
      %dma_wait3A_192 = tpu.memref_slice %arg8[%run_scoped3A_11, %dma_wait3A_191] : memref<2x128xi32, #tpu.memory_space<vmem>> -> memref<1x128xi32, #tpu.memory_space<vmem>>
      %dma_wait3A_193 = tpu.memref_squeeze %dma_wait3A_192 : memref<1x128xi32, #tpu.memory_space<vmem>> -> memref<128xi32, #tpu.memory_space<vmem>>
      %dma_wait3A_194 = tpu.memref_slice %arg2[%add3A_10] : memref<16384xi32, #tpu.memory_space<hbm>> -> memref<128xi32, #tpu.memory_space<hbm>>
      tpu.wait_dma2 semaphore(%run_scoped3A_178 : memref<!tpu.dma_semaphore, #tpu.memory_space<semaphore_mem>>) src(%dma_wait3A_194 : memref<128xi32, #tpu.memory_space<hbm>>) dst(%dma_wait3A_193 : memref<128xi32, #tpu.memory_space<vmem>>)
      tpu.yield
    }) : () -> ()
    %dma_start3A = arith.constant 0 : i32
    %dma_start3A_12 = arith.constant 0 : i32
    %dma_start3A_13 = arith.constant 0 : i32
    %dma_start3A_14 = tpu.memref_slice %arg9[%dma_start3A_12, %dma_start3A_13] : memref<256x128xf32, #tpu.memory_space<vmem>> -> memref<128x128xf32, #tpu.memory_space<vmem>>
    %dma_start3A_15 = arith.constant 0 : i32
    %dma_start3A_16 = tpu.memref_slice %arg8[%dma_start3A, %dma_start3A_15] : memref<2x128xi32, #tpu.memory_space<vmem>> -> memref<1x128xi32, #tpu.memory_space<vmem>>
    %dma_start3A_17 = tpu.memref_squeeze %dma_start3A_16 : memref<1x128xi32, #tpu.memory_space<vmem>> -> memref<128xi32, #tpu.memory_space<vmem>>
    %dma_start3A_18 = arith.constant 0 : i32
    %dma_start3A_19 = arith.constant 0 : i32
    %dma_start3A_20 = tpu.memref_slice %arg3[%dma_start3A_18, %dma_start3A_19] : memref<100000x128xf32, #tpu.memory_space<hbm>> -> memref<100000x128xf32, #tpu.memory_space<hbm>>
    tpu.enqueue_indirect_dma source(%dma_start3A_20 : memref<100000x128xf32, #tpu.memory_space<hbm>>) target(%dma_start3A_14 : memref<128x128xf32, #tpu.memory_space<vmem>>) offsets(%dma_start3A_17 : memref<128xi32, #tpu.memory_space<vmem>>) semaphore(%arg12 : memref<!tpu.dma_semaphore, #tpu.memory_space<semaphore_mem>>)
    %dma_start3A_21 = arith.constant 0 : i32
    %dma_start3A_22 = arith.constant 0 : i32
    %dma_start3A_23 = tpu.memref_slice %arg10[%dma_start3A_22] : memref<256xf32, #tpu.memory_space<vmem>> -> memref<128xf32, #tpu.memory_space<vmem>>
    %dma_start3A_24 = arith.constant 0 : i32
    %dma_start3A_25 = tpu.memref_slice %arg8[%dma_start3A_21, %dma_start3A_24] : memref<2x128xi32, #tpu.memory_space<vmem>> -> memref<1x128xi32, #tpu.memory_space<vmem>>
    %dma_start3A_26 = tpu.memref_squeeze %dma_start3A_25 : memref<1x128xi32, #tpu.memory_space<vmem>> -> memref<128xi32, #tpu.memory_space<vmem>>
    %dma_start3A_27 = arith.constant 0 : i32
    %dma_start3A_28 = tpu.memref_slice %arg4[%dma_start3A_27] : memref<100000xf32, #tpu.memory_space<hbm>> -> memref<100000xf32, #tpu.memory_space<hbm>>
    tpu.enqueue_indirect_dma source(%dma_start3A_28 : memref<100000xf32, #tpu.memory_space<hbm>>) target(%dma_start3A_23 : memref<128xf32, #tpu.memory_space<vmem>>) offsets(%dma_start3A_26 : memref<128xi32, #tpu.memory_space<vmem>>) semaphore(%arg12 : memref<!tpu.dma_semaphore, #tpu.memory_space<semaphore_mem>>)
    %dma_start3A_29 = arith.constant 0 : i32
    %dma_start3A_30 = arith.constant 0 : i32
    %dma_start3A_31 = tpu.memref_slice %arg11[%dma_start3A_30] : memref<256xf32, #tpu.memory_space<vmem>> -> memref<128xf32, #tpu.memory_space<vmem>>
    %dma_start3A_32 = arith.constant 0 : i32
    %dma_start3A_33 = tpu.memref_slice %arg8[%dma_start3A_29, %dma_start3A_32] : memref<2x128xi32, #tpu.memory_space<vmem>> -> memref<1x128xi32, #tpu.memory_space<vmem>>
    %dma_start3A_34 = tpu.memref_squeeze %dma_start3A_33 : memref<1x128xi32, #tpu.memory_space<vmem>> -> memref<128xi32, #tpu.memory_space<vmem>>
    %dma_start3A_35 = arith.constant 0 : i32
    %dma_start3A_36 = tpu.memref_slice %arg5[%dma_start3A_35] : memref<100000xf32, #tpu.memory_space<hbm>> -> memref<100000xf32, #tpu.memory_space<hbm>>
    tpu.enqueue_indirect_dma source(%dma_start3A_36 : memref<100000xf32, #tpu.memory_space<hbm>>) target(%dma_start3A_31 : memref<128xf32, #tpu.memory_space<vmem>>) offsets(%dma_start3A_34 : memref<128xi32, #tpu.memory_space<vmem>>) semaphore(%arg12 : memref<!tpu.dma_semaphore, #tpu.memory_space<semaphore_mem>>)
    %dma_start3A_37 = arith.constant 1 : i32
    %dma_start3A_38 = arith.constant 128 : i32
    %dma_start3A_39 = arith.constant 0 : i32
    %dma_start3A_40 = tpu.memref_slice %arg9[%dma_start3A_38, %dma_start3A_39] : memref<256x128xf32, #tpu.memory_space<vmem>> -> memref<128x128xf32, #tpu.memory_space<vmem>>
    %dma_start3A_41 = arith.constant 0 : i32
    %dma_start3A_42 = tpu.memref_slice %arg8[%dma_start3A_37, %dma_start3A_41] : memref<2x128xi32, #tpu.memory_space<vmem>> -> memref<1x128xi32, #tpu.memory_space<vmem>>
    %dma_start3A_43 = tpu.memref_squeeze %dma_start3A_42 : memref<1x128xi32, #tpu.memory_space<vmem>> -> memref<128xi32, #tpu.memory_space<vmem>>
    %dma_start3A_44 = arith.constant 0 : i32
    %dma_start3A_45 = arith.constant 0 : i32
    %dma_start3A_46 = tpu.memref_slice %arg3[%dma_start3A_44, %dma_start3A_45] : memref<100000x128xf32, #tpu.memory_space<hbm>> -> memref<100000x128xf32, #tpu.memory_space<hbm>>
    tpu.enqueue_indirect_dma source(%dma_start3A_46 : memref<100000x128xf32, #tpu.memory_space<hbm>>) target(%dma_start3A_40 : memref<128x128xf32, #tpu.memory_space<vmem>>) offsets(%dma_start3A_43 : memref<128xi32, #tpu.memory_space<vmem>>) semaphore(%arg12 : memref<!tpu.dma_semaphore, #tpu.memory_space<semaphore_mem>>)
    %dma_start3A_47 = arith.constant 1 : i32
    %dma_start3A_48 = arith.constant 128 : i32
    %dma_start3A_49 = tpu.memref_slice %arg10[%dma_start3A_48] : memref<256xf32, #tpu.memory_space<vmem>> -> memref<128xf32, #tpu.memory_space<vmem>>
    %dma_start3A_50 = arith.constant 0 : i32
    %dma_start3A_51 = tpu.memref_slice %arg8[%dma_start3A_47, %dma_start3A_50] : memref<2x128xi32, #tpu.memory_space<vmem>> -> memref<1x128xi32, #tpu.memory_space<vmem>>
    %dma_start3A_52 = tpu.memref_squeeze %dma_start3A_51 : memref<1x128xi32, #tpu.memory_space<vmem>> -> memref<128xi32, #tpu.memory_space<vmem>>
    %dma_start3A_53 = arith.constant 0 : i32
    %dma_start3A_54 = tpu.memref_slice %arg4[%dma_start3A_53] : memref<100000xf32, #tpu.memory_space<hbm>> -> memref<100000xf32, #tpu.memory_space<hbm>>
    tpu.enqueue_indirect_dma source(%dma_start3A_54 : memref<100000xf32, #tpu.memory_space<hbm>>) target(%dma_start3A_49 : memref<128xf32, #tpu.memory_space<vmem>>) offsets(%dma_start3A_52 : memref<128xi32, #tpu.memory_space<vmem>>) semaphore(%arg12 : memref<!tpu.dma_semaphore, #tpu.memory_space<semaphore_mem>>)
    %dma_start3A_55 = arith.constant 1 : i32
    %dma_start3A_56 = arith.constant 128 : i32
    %dma_start3A_57 = tpu.memref_slice %arg11[%dma_start3A_56] : memref<256xf32, #tpu.memory_space<vmem>> -> memref<128xf32, #tpu.memory_space<vmem>>
    %dma_start3A_58 = arith.constant 0 : i32
    %dma_start3A_59 = tpu.memref_slice %arg8[%dma_start3A_55, %dma_start3A_58] : memref<2x128xi32, #tpu.memory_space<vmem>> -> memref<1x128xi32, #tpu.memory_space<vmem>>
    %dma_start3A_60 = tpu.memref_squeeze %dma_start3A_59 : memref<1x128xi32, #tpu.memory_space<vmem>> -> memref<128xi32, #tpu.memory_space<vmem>>
    %dma_start3A_61 = arith.constant 0 : i32
    %dma_start3A_62 = tpu.memref_slice %arg5[%dma_start3A_61] : memref<100000xf32, #tpu.memory_space<hbm>> -> memref<100000xf32, #tpu.memory_space<hbm>>
    tpu.enqueue_indirect_dma source(%dma_start3A_62 : memref<100000xf32, #tpu.memory_space<hbm>>) target(%dma_start3A_57 : memref<128xf32, #tpu.memory_space<vmem>>) offsets(%dma_start3A_60 : memref<128xi32, #tpu.memory_space<vmem>>) semaphore(%arg12 : memref<!tpu.dma_semaphore, #tpu.memory_space<semaphore_mem>>)
    %dma_wait3A = arith.constant 0 : i32
    %dma_wait3A_63 = arith.constant 0 : i32
    %dma_wait3A_64 = arith.constant 0 : i32
    %dma_wait3A_65 = tpu.memref_slice %arg9[%dma_wait3A_63, %dma_wait3A_64] : memref<256x128xf32, #tpu.memory_space<vmem>> -> memref<128x128xf32, #tpu.memory_space<vmem>>
    %dma_wait3A_66 = arith.constant 0 : i32
    %dma_wait3A_67 = tpu.memref_slice %arg8[%dma_wait3A, %dma_wait3A_66] : memref<2x128xi32, #tpu.memory_space<vmem>> -> memref<1x128xi32, #tpu.memory_space<vmem>>
    %dma_wait3A_68 = tpu.memref_squeeze %dma_wait3A_67 : memref<1x128xi32, #tpu.memory_space<vmem>> -> memref<128xi32, #tpu.memory_space<vmem>>
    %dma_wait3A_69 = arith.constant 0 : i32
    %dma_wait3A_70 = arith.constant 0 : i32
    %dma_wait3A_71 = tpu.memref_slice %arg3[%dma_wait3A_69, %dma_wait3A_70] : memref<100000x128xf32, #tpu.memory_space<hbm>> -> memref<100000x128xf32, #tpu.memory_space<hbm>>
    tpu.wait_indirect_dma semaphore(%arg12 : memref<!tpu.dma_semaphore, #tpu.memory_space<semaphore_mem>>) src(%dma_wait3A_71 : memref<100000x128xf32, #tpu.memory_space<hbm>>) dst(%dma_wait3A_65 : memref<128x128xf32, #tpu.memory_space<vmem>>)
    %dma_wait3A_72 = arith.constant 0 : i32
    %dma_wait3A_73 = arith.constant 0 : i32
    %dma_wait3A_74 = tpu.memref_slice %arg10[%dma_wait3A_73] : memref<256xf32, #tpu.memory_space<vmem>> -> memref<128xf32, #tpu.memory_space<vmem>>
    %dma_wait3A_75 = arith.constant 0 : i32
    %dma_wait3A_76 = tpu.memref_slice %arg8[%dma_wait3A_72, %dma_wait3A_75] : memref<2x128xi32, #tpu.memory_space<vmem>> -> memref<1x128xi32, #tpu.memory_space<vmem>>
    %dma_wait3A_77 = tpu.memref_squeeze %dma_wait3A_76 : memref<1x128xi32, #tpu.memory_space<vmem>> -> memref<128xi32, #tpu.memory_space<vmem>>
    %dma_wait3A_78 = arith.constant 0 : i32
    %dma_wait3A_79 = tpu.memref_slice %arg4[%dma_wait3A_78] : memref<100000xf32, #tpu.memory_space<hbm>> -> memref<100000xf32, #tpu.memory_space<hbm>>
    tpu.wait_indirect_dma semaphore(%arg12 : memref<!tpu.dma_semaphore, #tpu.memory_space<semaphore_mem>>) src(%dma_wait3A_79 : memref<100000xf32, #tpu.memory_space<hbm>>) dst(%dma_wait3A_74 : memref<128xf32, #tpu.memory_space<vmem>>)
    %dma_wait3A_80 = arith.constant 0 : i32
    %dma_wait3A_81 = arith.constant 0 : i32
    %dma_wait3A_82 = tpu.memref_slice %arg11[%dma_wait3A_81] : memref<256xf32, #tpu.memory_space<vmem>> -> memref<128xf32, #tpu.memory_space<vmem>>
    %dma_wait3A_83 = arith.constant 0 : i32
    %dma_wait3A_84 = tpu.memref_slice %arg8[%dma_wait3A_80, %dma_wait3A_83] : memref<2x128xi32, #tpu.memory_space<vmem>> -> memref<1x128xi32, #tpu.memory_space<vmem>>
    %dma_wait3A_85 = tpu.memref_squeeze %dma_wait3A_84 : memref<1x128xi32, #tpu.memory_space<vmem>> -> memref<128xi32, #tpu.memory_space<vmem>>
    %dma_wait3A_86 = arith.constant 0 : i32
    %dma_wait3A_87 = tpu.memref_slice %arg5[%dma_wait3A_86] : memref<100000xf32, #tpu.memory_space<hbm>> -> memref<100000xf32, #tpu.memory_space<hbm>>
    tpu.wait_indirect_dma semaphore(%arg12 : memref<!tpu.dma_semaphore, #tpu.memory_space<semaphore_mem>>) src(%dma_wait3A_87 : memref<100000xf32, #tpu.memory_space<hbm>>) dst(%dma_wait3A_82 : memref<128xf32, #tpu.memory_space<vmem>>)
    %add3A_88 = arith.constant 0 : i32
    %add3A_89 = arith.addi %mul3A_2, %add3A_88 : i32
    %dma_start3A_90 = arith.constant 0 : i32
    %dma_start3A_91 = arith.constant 0 : i32
    %dma_start3A_92 = tpu.memref_slice %arg9[%dma_start3A_90, %dma_start3A_91] : memref<256x128xf32, #tpu.memory_space<vmem>> -> memref<128x128xf32, #tpu.memory_space<vmem>>
    %dma_start3A_93 = arith.constant 0 : i32
    %dma_start3A_94 = tpu.memref_slice %arg6[%add3A_89, %dma_start3A_93] : memref<8192x128xf32, #tpu.memory_space<hbm>> -> memref<128x128xf32, #tpu.memory_space<hbm>>
    %dma_start3A_95 = arith.constant 0 : i32
    %dma_start3A_96 = tpu.memref_slice %arg6[%add3A_89, %dma_start3A_95] : memref<8192x128xf32, #tpu.memory_space<hbm>> -> memref<128x128xf32, #tpu.memory_space<hbm>>
    %dma_start3A_97 = arith.constant 0 : i32
    %dma_start3A_98 = arith.constant 0 : i32
    %dma_start3A_99 = tpu.memref_slice %arg9[%dma_start3A_97, %dma_start3A_98] : memref<256x128xf32, #tpu.memory_space<vmem>> -> memref<128x128xf32, #tpu.memory_space<vmem>>
    tpu.enqueue_dma source(%dma_start3A_99 : memref<128x128xf32, #tpu.memory_space<vmem>>) target(%dma_start3A_96 : memref<128x128xf32, #tpu.memory_space<hbm>>) target_semaphore(%arg13 : memref<!tpu.dma_semaphore, #tpu.memory_space<semaphore_mem>>)
    %dma_wait3A_100 = arith.constant 1 : i32
    %dma_wait3A_101 = arith.constant 128 : i32
    %dma_wait3A_102 = arith.constant 0 : i32
    %dma_wait3A_103 = tpu.memref_slice %arg9[%dma_wait3A_101, %dma_wait3A_102] : memref<256x128xf32, #tpu.memory_space<vmem>> -> memref<128x128xf32, #tpu.memory_space<vmem>>
    %dma_wait3A_104 = arith.constant 0 : i32
    %dma_wait3A_105 = tpu.memref_slice %arg8[%dma_wait3A_100, %dma_wait3A_104] : memref<2x128xi32, #tpu.memory_space<vmem>> -> memref<1x128xi32, #tpu.memory_space<vmem>>
    %dma_wait3A_106 = tpu.memref_squeeze %dma_wait3A_105 : memref<1x128xi32, #tpu.memory_space<vmem>> -> memref<128xi32, #tpu.memory_space<vmem>>
    %dma_wait3A_107 = arith.constant 0 : i32
    %dma_wait3A_108 = arith.constant 0 : i32
    %dma_wait3A_109 = tpu.memref_slice %arg3[%dma_wait3A_107, %dma_wait3A_108] : memref<100000x128xf32, #tpu.memory_space<hbm>> -> memref<100000x128xf32, #tpu.memory_space<hbm>>
    tpu.wait_indirect_dma semaphore(%arg12 : memref<!tpu.dma_semaphore, #tpu.memory_space<semaphore_mem>>) src(%dma_wait3A_109 : memref<100000x128xf32, #tpu.memory_space<hbm>>) dst(%dma_wait3A_103 : memref<128x128xf32, #tpu.memory_space<vmem>>)
    %dma_wait3A_110 = arith.constant 1 : i32
    %dma_wait3A_111 = arith.constant 128 : i32
    %dma_wait3A_112 = tpu.memref_slice %arg10[%dma_wait3A_111] : memref<256xf32, #tpu.memory_space<vmem>> -> memref<128xf32, #tpu.memory_space<vmem>>
    %dma_wait3A_113 = arith.constant 0 : i32
    %dma_wait3A_114 = tpu.memref_slice %arg8[%dma_wait3A_110, %dma_wait3A_113] : memref<2x128xi32, #tpu.memory_space<vmem>> -> memref<1x128xi32, #tpu.memory_space<vmem>>
    %dma_wait3A_115 = tpu.memref_squeeze %dma_wait3A_114 : memref<1x128xi32, #tpu.memory_space<vmem>> -> memref<128xi32, #tpu.memory_space<vmem>>
    %dma_wait3A_116 = arith.constant 0 : i32
    %dma_wait3A_117 = tpu.memref_slice %arg4[%dma_wait3A_116] : memref<100000xf32, #tpu.memory_space<hbm>> -> memref<100000xf32, #tpu.memory_space<hbm>>
    tpu.wait_indirect_dma semaphore(%arg12 : memref<!tpu.dma_semaphore, #tpu.memory_space<semaphore_mem>>) src(%dma_wait3A_117 : memref<100000xf32, #tpu.memory_space<hbm>>) dst(%dma_wait3A_112 : memref<128xf32, #tpu.memory_space<vmem>>)
    %dma_wait3A_118 = arith.constant 1 : i32
    %dma_wait3A_119 = arith.constant 128 : i32
    %dma_wait3A_120 = tpu.memref_slice %arg11[%dma_wait3A_119] : memref<256xf32, #tpu.memory_space<vmem>> -> memref<128xf32, #tpu.memory_space<vmem>>
    %dma_wait3A_121 = arith.constant 0 : i32
    %dma_wait3A_122 = tpu.memref_slice %arg8[%dma_wait3A_118, %dma_wait3A_121] : memref<2x128xi32, #tpu.memory_space<vmem>> -> memref<1x128xi32, #tpu.memory_space<vmem>>
    %dma_wait3A_123 = tpu.memref_squeeze %dma_wait3A_122 : memref<1x128xi32, #tpu.memory_space<vmem>> -> memref<128xi32, #tpu.memory_space<vmem>>
    %dma_wait3A_124 = arith.constant 0 : i32
    %dma_wait3A_125 = tpu.memref_slice %arg5[%dma_wait3A_124] : memref<100000xf32, #tpu.memory_space<hbm>> -> memref<100000xf32, #tpu.memory_space<hbm>>
    tpu.wait_indirect_dma semaphore(%arg12 : memref<!tpu.dma_semaphore, #tpu.memory_space<semaphore_mem>>) src(%dma_wait3A_125 : memref<100000xf32, #tpu.memory_space<hbm>>) dst(%dma_wait3A_120 : memref<128xf32, #tpu.memory_space<vmem>>)
    %add3A_126 = arith.constant 128 : i32
    %add3A_127 = arith.addi %mul3A_2, %add3A_126 : i32
    %dma_start3A_128 = arith.constant 128 : i32
    %dma_start3A_129 = arith.constant 0 : i32
    %dma_start3A_130 = tpu.memref_slice %arg9[%dma_start3A_128, %dma_start3A_129] : memref<256x128xf32, #tpu.memory_space<vmem>> -> memref<128x128xf32, #tpu.memory_space<vmem>>
    %dma_start3A_131 = arith.constant 0 : i32
    %dma_start3A_132 = tpu.memref_slice %arg6[%add3A_127, %dma_start3A_131] : memref<8192x128xf32, #tpu.memory_space<hbm>> -> memref<128x128xf32, #tpu.memory_space<hbm>>
    %dma_start3A_133 = arith.constant 0 : i32
    %dma_start3A_134 = tpu.memref_slice %arg6[%add3A_127, %dma_start3A_133] : memref<8192x128xf32, #tpu.memory_space<hbm>> -> memref<128x128xf32, #tpu.memory_space<hbm>>
    %dma_start3A_135 = arith.constant 128 : i32
    %dma_start3A_136 = arith.constant 0 : i32
    %dma_start3A_137 = tpu.memref_slice %arg9[%dma_start3A_135, %dma_start3A_136] : memref<256x128xf32, #tpu.memory_space<vmem>> -> memref<128x128xf32, #tpu.memory_space<vmem>>
    tpu.enqueue_dma source(%dma_start3A_137 : memref<128x128xf32, #tpu.memory_space<vmem>>) target(%dma_start3A_134 : memref<128x128xf32, #tpu.memory_space<hbm>>) target_semaphore(%arg13 : memref<!tpu.dma_semaphore, #tpu.memory_space<semaphore_mem>>)
    %dma_start3A_138 = arith.constant 0 : i32
    %dma_start3A_139 = tpu.memref_slice %arg7[%dma_start3A_138, %mul3A_2] : memref<2x8192xf32, #tpu.memory_space<hbm>> -> memref<1x256xf32, #tpu.memory_space<hbm>>
    %dma_start3A_140 = tpu.memref_squeeze %dma_start3A_139 : memref<1x256xf32, #tpu.memory_space<hbm>> -> memref<256xf32, #tpu.memory_space<hbm>>
    %dma_start3A_141 = tpu.memref_slice %arg7[%dma_start3A_138, %mul3A_2] : memref<2x8192xf32, #tpu.memory_space<hbm>> -> memref<1x256xf32, #tpu.memory_space<hbm>>
    %dma_start3A_142 = tpu.memref_squeeze %dma_start3A_141 : memref<1x256xf32, #tpu.memory_space<hbm>> -> memref<256xf32, #tpu.memory_space<hbm>>
    tpu.enqueue_dma source(%arg10 : memref<256xf32, #tpu.memory_space<vmem>>) target(%dma_start3A_142 : memref<256xf32, #tpu.memory_space<hbm>>) target_semaphore(%arg13 : memref<!tpu.dma_semaphore, #tpu.memory_space<semaphore_mem>>)
    %dma_start3A_143 = arith.constant 1 : i32
    %dma_start3A_144 = tpu.memref_slice %arg7[%dma_start3A_143, %mul3A_2] : memref<2x8192xf32, #tpu.memory_space<hbm>> -> memref<1x256xf32, #tpu.memory_space<hbm>>
    %dma_start3A_145 = tpu.memref_squeeze %dma_start3A_144 : memref<1x256xf32, #tpu.memory_space<hbm>> -> memref<256xf32, #tpu.memory_space<hbm>>
    %dma_start3A_146 = tpu.memref_slice %arg7[%dma_start3A_143, %mul3A_2] : memref<2x8192xf32, #tpu.memory_space<hbm>> -> memref<1x256xf32, #tpu.memory_space<hbm>>
    %dma_start3A_147 = tpu.memref_squeeze %dma_start3A_146 : memref<1x256xf32, #tpu.memory_space<hbm>> -> memref<256xf32, #tpu.memory_space<hbm>>
    tpu.enqueue_dma source(%arg11 : memref<256xf32, #tpu.memory_space<vmem>>) target(%dma_start3A_147 : memref<256xf32, #tpu.memory_space<hbm>>) target_semaphore(%arg13 : memref<!tpu.dma_semaphore, #tpu.memory_space<semaphore_mem>>)
    %dma_wait3A_148 = arith.constant 0 : i32
    %dma_wait3A_149 = arith.constant 0 : i32
    %dma_wait3A_150 = tpu.memref_slice %arg9[%dma_wait3A_148, %dma_wait3A_149] : memref<256x128xf32, #tpu.memory_space<vmem>> -> memref<128x128xf32, #tpu.memory_space<vmem>>
    %dma_wait3A_151 = arith.constant 0 : i32
    %dma_wait3A_152 = tpu.memref_slice %arg6[%add3A_89, %dma_wait3A_151] : memref<8192x128xf32, #tpu.memory_space<hbm>> -> memref<128x128xf32, #tpu.memory_space<hbm>>
    %dma_wait3A_153 = arith.constant 0 : i32
    %dma_wait3A_154 = tpu.memref_slice %arg6[%add3A_89, %dma_wait3A_153] : memref<8192x128xf32, #tpu.memory_space<hbm>> -> memref<128x128xf32, #tpu.memory_space<hbm>>
    %dma_wait3A_155 = arith.constant 0 : i32
    %dma_wait3A_156 = arith.constant 0 : i32
    %dma_wait3A_157 = tpu.memref_slice %arg9[%dma_wait3A_155, %dma_wait3A_156] : memref<256x128xf32, #tpu.memory_space<vmem>> -> memref<128x128xf32, #tpu.memory_space<vmem>>
    tpu.wait_dma2 semaphore(%arg13 : memref<!tpu.dma_semaphore, #tpu.memory_space<semaphore_mem>>) src(%dma_wait3A_157 : memref<128x128xf32, #tpu.memory_space<vmem>>) dst(%dma_wait3A_154 : memref<128x128xf32, #tpu.memory_space<hbm>>)
    %dma_wait3A_158 = arith.constant 128 : i32
    %dma_wait3A_159 = arith.constant 0 : i32
    %dma_wait3A_160 = tpu.memref_slice %arg9[%dma_wait3A_158, %dma_wait3A_159] : memref<256x128xf32, #tpu.memory_space<vmem>> -> memref<128x128xf32, #tpu.memory_space<vmem>>
    %dma_wait3A_161 = arith.constant 0 : i32
    %dma_wait3A_162 = tpu.memref_slice %arg6[%add3A_127, %dma_wait3A_161] : memref<8192x128xf32, #tpu.memory_space<hbm>> -> memref<128x128xf32, #tpu.memory_space<hbm>>
    %dma_wait3A_163 = arith.constant 0 : i32
    %dma_wait3A_164 = tpu.memref_slice %arg6[%add3A_127, %dma_wait3A_163] : memref<8192x128xf32, #tpu.memory_space<hbm>> -> memref<128x128xf32, #tpu.memory_space<hbm>>
    %dma_wait3A_165 = arith.constant 128 : i32
    %dma_wait3A_166 = arith.constant 0 : i32
    %dma_wait3A_167 = tpu.memref_slice %arg9[%dma_wait3A_165, %dma_wait3A_166] : memref<256x128xf32, #tpu.memory_space<vmem>> -> memref<128x128xf32, #tpu.memory_space<vmem>>
    tpu.wait_dma2 semaphore(%arg13 : memref<!tpu.dma_semaphore, #tpu.memory_space<semaphore_mem>>) src(%dma_wait3A_167 : memref<128x128xf32, #tpu.memory_space<vmem>>) dst(%dma_wait3A_164 : memref<128x128xf32, #tpu.memory_space<hbm>>)
    %dma_wait3A_168 = arith.constant 0 : i32
    %dma_wait3A_169 = tpu.memref_slice %arg7[%dma_wait3A_168, %mul3A_2] : memref<2x8192xf32, #tpu.memory_space<hbm>> -> memref<1x256xf32, #tpu.memory_space<hbm>>
    %dma_wait3A_170 = tpu.memref_squeeze %dma_wait3A_169 : memref<1x256xf32, #tpu.memory_space<hbm>> -> memref<256xf32, #tpu.memory_space<hbm>>
    %dma_wait3A_171 = tpu.memref_slice %arg7[%dma_wait3A_168, %mul3A_2] : memref<2x8192xf32, #tpu.memory_space<hbm>> -> memref<1x256xf32, #tpu.memory_space<hbm>>
    %dma_wait3A_172 = tpu.memref_squeeze %dma_wait3A_171 : memref<1x256xf32, #tpu.memory_space<hbm>> -> memref<256xf32, #tpu.memory_space<hbm>>
    tpu.wait_dma2 semaphore(%arg13 : memref<!tpu.dma_semaphore, #tpu.memory_space<semaphore_mem>>) src(%arg10 : memref<256xf32, #tpu.memory_space<vmem>>) dst(%dma_wait3A_172 : memref<256xf32, #tpu.memory_space<hbm>>)
    %dma_wait3A_173 = arith.constant 1 : i32
    %dma_wait3A_174 = tpu.memref_slice %arg7[%dma_wait3A_173, %mul3A_2] : memref<2x8192xf32, #tpu.memory_space<hbm>> -> memref<1x256xf32, #tpu.memory_space<hbm>>
    %dma_wait3A_175 = tpu.memref_squeeze %dma_wait3A_174 : memref<1x256xf32, #tpu.memory_space<hbm>> -> memref<256xf32, #tpu.memory_space<hbm>>
    %dma_wait3A_176 = tpu.memref_slice %arg7[%dma_wait3A_173, %mul3A_2] : memref<2x8192xf32, #tpu.memory_space<hbm>> -> memref<1x256xf32, #tpu.memory_space<hbm>>
    %dma_wait3A_177 = tpu.memref_squeeze %dma_wait3A_176 : memref<1x256xf32, #tpu.memory_space<hbm>> -> memref<256xf32, #tpu.memory_space<hbm>>
    tpu.wait_dma2 semaphore(%arg13 : memref<!tpu.dma_semaphore, #tpu.memory_space<semaphore_mem>>) src(%arg11 : memref<256xf32, #tpu.memory_space<vmem>>) dst(%dma_wait3A_177 : memref<256xf32, #tpu.memory_space<hbm>>)
    return
  }
}

#map = affine_map<(d0, d1) -> (0)>
#map1 = affine_map<(d0, d1) -> (0, 0)>
module attributes {stable_mosaic.version = 14 : i64} {
  func.func @gather_kernel(%arg0: i32, %arg1: i32, %arg2: memref<16384xi32, #tpu.memory_space<hbm>>, %arg3: memref<100000x128xf32, #tpu.memory_space<hbm>>, %arg4: memref<100000xf32, #tpu.memory_space<hbm>>, %arg5: memref<100000xf32, #tpu.memory_space<hbm>>, %arg6: memref<4096x128xf32, #tpu.memory_space<hbm>>, %arg7: memref<2x4096xf32, #tpu.memory_space<hbm>>, %arg8: memref<1x128xi32, #tpu.memory_space<vmem>>, %arg9: memref<128x128xf32, #tpu.memory_space<vmem>>, %arg10: memref<128xf32, #tpu.memory_space<vmem>>, %arg11: memref<128xf32, #tpu.memory_space<vmem>>, %arg12: memref<!tpu.dma_semaphore, #tpu.memory_space<semaphore_mem>>, %arg13: memref<!tpu.dma_semaphore, #tpu.memory_space<semaphore_mem>>) attributes {dimension_semantics = [#tpu.dimension_semantics<core_parallel>, #tpu.dimension_semantics<subcore_parallel>], iteration_bounds = array<i64: 2, 16>, scalar_prefetch = 0 : i64, scratch_operands = 6 : i64, tpu.core_type = #tpu.core_type<sc_vector_subcore>, window_params = [{transform_indices = #map}, {transform_indices = #map1}, {transform_indices = #map}, {transform_indices = #map}, {transform_indices = #map1}, {transform_indices = #map1}]} {
    %mul3A = arith.constant 2 : i32
    %mul3A_0 = arith.muli %arg1, %mul3A : i32
    %add3A = arith.addi %mul3A_0, %arg0 : i32
    %mul3A_1 = arith.constant 128 : i32
    %mul3A_2 = arith.muli %add3A, %mul3A_1 : i32
    %add3A_3 = arith.constant 8192 : i32
    %add3A_4 = arith.addi %add3A_3, %mul3A_2 : i32
    %add3A_5 = arith.constant 0 : i32
    %add3A_6 = arith.addi %add3A_4, %add3A_5 : i32
    %run_scoped3A = arith.constant 0 : i32
    "tpu.region"() ({
      %run_scoped3A_99 = tpu.sem_alloc : memref<!tpu.dma_semaphore, #tpu.memory_space<semaphore_mem>>
      %dma_start3A_100 = arith.constant 0 : i32
      %dma_start3A_101 = tpu.memref_slice %arg8[%run_scoped3A, %dma_start3A_100] : memref<1x128xi32, #tpu.memory_space<vmem>> -> memref<1x128xi32, #tpu.memory_space<vmem>>
      %dma_start3A_102 = tpu.memref_squeeze %dma_start3A_101 : memref<1x128xi32, #tpu.memory_space<vmem>> -> memref<128xi32, #tpu.memory_space<vmem>>
      %dma_start3A_103 = tpu.memref_slice %arg2[%add3A_6] : memref<16384xi32, #tpu.memory_space<hbm>> -> memref<128xi32, #tpu.memory_space<hbm>>
      %dma_start3A_104 = arith.constant 0 : i32
      %dma_start3A_105 = tpu.memref_slice %arg8[%run_scoped3A, %dma_start3A_104] : memref<1x128xi32, #tpu.memory_space<vmem>> -> memref<1x128xi32, #tpu.memory_space<vmem>>
      %dma_start3A_106 = tpu.memref_squeeze %dma_start3A_105 : memref<1x128xi32, #tpu.memory_space<vmem>> -> memref<128xi32, #tpu.memory_space<vmem>>
      %dma_start3A_107 = tpu.memref_slice %arg2[%add3A_6] : memref<16384xi32, #tpu.memory_space<hbm>> -> memref<128xi32, #tpu.memory_space<hbm>>
      tpu.enqueue_dma source(%dma_start3A_107 : memref<128xi32, #tpu.memory_space<hbm>>) target(%dma_start3A_106 : memref<128xi32, #tpu.memory_space<vmem>>) target_semaphore(%run_scoped3A_99 : memref<!tpu.dma_semaphore, #tpu.memory_space<semaphore_mem>>)
      %dma_wait3A_108 = arith.constant 0 : i32
      %dma_wait3A_109 = tpu.memref_slice %arg8[%run_scoped3A, %dma_wait3A_108] : memref<1x128xi32, #tpu.memory_space<vmem>> -> memref<1x128xi32, #tpu.memory_space<vmem>>
      %dma_wait3A_110 = tpu.memref_squeeze %dma_wait3A_109 : memref<1x128xi32, #tpu.memory_space<vmem>> -> memref<128xi32, #tpu.memory_space<vmem>>
      %dma_wait3A_111 = tpu.memref_slice %arg2[%add3A_6] : memref<16384xi32, #tpu.memory_space<hbm>> -> memref<128xi32, #tpu.memory_space<hbm>>
      %dma_wait3A_112 = arith.constant 0 : i32
      %dma_wait3A_113 = tpu.memref_slice %arg8[%run_scoped3A, %dma_wait3A_112] : memref<1x128xi32, #tpu.memory_space<vmem>> -> memref<1x128xi32, #tpu.memory_space<vmem>>
      %dma_wait3A_114 = tpu.memref_squeeze %dma_wait3A_113 : memref<1x128xi32, #tpu.memory_space<vmem>> -> memref<128xi32, #tpu.memory_space<vmem>>
      %dma_wait3A_115 = tpu.memref_slice %arg2[%add3A_6] : memref<16384xi32, #tpu.memory_space<hbm>> -> memref<128xi32, #tpu.memory_space<hbm>>
      tpu.wait_dma2 semaphore(%run_scoped3A_99 : memref<!tpu.dma_semaphore, #tpu.memory_space<semaphore_mem>>) src(%dma_wait3A_115 : memref<128xi32, #tpu.memory_space<hbm>>) dst(%dma_wait3A_114 : memref<128xi32, #tpu.memory_space<vmem>>)
      tpu.yield
    }) : () -> ()
    %dma_start3A = arith.constant 0 : i32
    %dma_start3A_7 = arith.constant 0 : i32
    %dma_start3A_8 = arith.constant 0 : i32
    %dma_start3A_9 = tpu.memref_slice %arg9[%dma_start3A_7, %dma_start3A_8] : memref<128x128xf32, #tpu.memory_space<vmem>> -> memref<128x128xf32, #tpu.memory_space<vmem>>
    %dma_start3A_10 = arith.constant 0 : i32
    %dma_start3A_11 = tpu.memref_slice %arg8[%dma_start3A, %dma_start3A_10] : memref<1x128xi32, #tpu.memory_space<vmem>> -> memref<1x128xi32, #tpu.memory_space<vmem>>
    %dma_start3A_12 = tpu.memref_squeeze %dma_start3A_11 : memref<1x128xi32, #tpu.memory_space<vmem>> -> memref<128xi32, #tpu.memory_space<vmem>>
    %dma_start3A_13 = arith.constant 0 : i32
    %dma_start3A_14 = arith.constant 0 : i32
    %dma_start3A_15 = tpu.memref_slice %arg3[%dma_start3A_13, %dma_start3A_14] : memref<100000x128xf32, #tpu.memory_space<hbm>> -> memref<100000x128xf32, #tpu.memory_space<hbm>>
    tpu.enqueue_indirect_dma source(%dma_start3A_15 : memref<100000x128xf32, #tpu.memory_space<hbm>>) target(%dma_start3A_9 : memref<128x128xf32, #tpu.memory_space<vmem>>) offsets(%dma_start3A_12 : memref<128xi32, #tpu.memory_space<vmem>>) semaphore(%arg12 : memref<!tpu.dma_semaphore, #tpu.memory_space<semaphore_mem>>)
    %dma_start3A_16 = arith.constant 0 : i32
    %dma_start3A_17 = arith.constant 0 : i32
    %dma_start3A_18 = tpu.memref_slice %arg10[%dma_start3A_17] : memref<128xf32, #tpu.memory_space<vmem>> -> memref<128xf32, #tpu.memory_space<vmem>>
    %dma_start3A_19 = arith.constant 0 : i32
    %dma_start3A_20 = tpu.memref_slice %arg8[%dma_start3A_16, %dma_start3A_19] : memref<1x128xi32, #tpu.memory_space<vmem>> -> memref<1x128xi32, #tpu.memory_space<vmem>>
    %dma_start3A_21 = tpu.memref_squeeze %dma_start3A_20 : memref<1x128xi32, #tpu.memory_space<vmem>> -> memref<128xi32, #tpu.memory_space<vmem>>
    %dma_start3A_22 = arith.constant 0 : i32
    %dma_start3A_23 = tpu.memref_slice %arg4[%dma_start3A_22] : memref<100000xf32, #tpu.memory_space<hbm>> -> memref<100000xf32, #tpu.memory_space<hbm>>
    tpu.enqueue_indirect_dma source(%dma_start3A_23 : memref<100000xf32, #tpu.memory_space<hbm>>) target(%dma_start3A_18 : memref<128xf32, #tpu.memory_space<vmem>>) offsets(%dma_start3A_21 : memref<128xi32, #tpu.memory_space<vmem>>) semaphore(%arg12 : memref<!tpu.dma_semaphore, #tpu.memory_space<semaphore_mem>>)
    %dma_start3A_24 = arith.constant 0 : i32
    %dma_start3A_25 = arith.constant 0 : i32
    %dma_start3A_26 = tpu.memref_slice %arg11[%dma_start3A_25] : memref<128xf32, #tpu.memory_space<vmem>> -> memref<128xf32, #tpu.memory_space<vmem>>
    %dma_start3A_27 = arith.constant 0 : i32
    %dma_start3A_28 = tpu.memref_slice %arg8[%dma_start3A_24, %dma_start3A_27] : memref<1x128xi32, #tpu.memory_space<vmem>> -> memref<1x128xi32, #tpu.memory_space<vmem>>
    %dma_start3A_29 = tpu.memref_squeeze %dma_start3A_28 : memref<1x128xi32, #tpu.memory_space<vmem>> -> memref<128xi32, #tpu.memory_space<vmem>>
    %dma_start3A_30 = arith.constant 0 : i32
    %dma_start3A_31 = tpu.memref_slice %arg5[%dma_start3A_30] : memref<100000xf32, #tpu.memory_space<hbm>> -> memref<100000xf32, #tpu.memory_space<hbm>>
    tpu.enqueue_indirect_dma source(%dma_start3A_31 : memref<100000xf32, #tpu.memory_space<hbm>>) target(%dma_start3A_26 : memref<128xf32, #tpu.memory_space<vmem>>) offsets(%dma_start3A_29 : memref<128xi32, #tpu.memory_space<vmem>>) semaphore(%arg12 : memref<!tpu.dma_semaphore, #tpu.memory_space<semaphore_mem>>)
    %dma_wait3A = arith.constant 0 : i32
    %dma_wait3A_32 = arith.constant 0 : i32
    %dma_wait3A_33 = arith.constant 0 : i32
    %dma_wait3A_34 = tpu.memref_slice %arg9[%dma_wait3A_32, %dma_wait3A_33] : memref<128x128xf32, #tpu.memory_space<vmem>> -> memref<128x128xf32, #tpu.memory_space<vmem>>
    %dma_wait3A_35 = arith.constant 0 : i32
    %dma_wait3A_36 = tpu.memref_slice %arg8[%dma_wait3A, %dma_wait3A_35] : memref<1x128xi32, #tpu.memory_space<vmem>> -> memref<1x128xi32, #tpu.memory_space<vmem>>
    %dma_wait3A_37 = tpu.memref_squeeze %dma_wait3A_36 : memref<1x128xi32, #tpu.memory_space<vmem>> -> memref<128xi32, #tpu.memory_space<vmem>>
    %dma_wait3A_38 = arith.constant 0 : i32
    %dma_wait3A_39 = arith.constant 0 : i32
    %dma_wait3A_40 = tpu.memref_slice %arg3[%dma_wait3A_38, %dma_wait3A_39] : memref<100000x128xf32, #tpu.memory_space<hbm>> -> memref<100000x128xf32, #tpu.memory_space<hbm>>
    tpu.wait_indirect_dma semaphore(%arg12 : memref<!tpu.dma_semaphore, #tpu.memory_space<semaphore_mem>>) src(%dma_wait3A_40 : memref<100000x128xf32, #tpu.memory_space<hbm>>) dst(%dma_wait3A_34 : memref<128x128xf32, #tpu.memory_space<vmem>>)
    %dma_wait3A_41 = arith.constant 0 : i32
    %dma_wait3A_42 = arith.constant 0 : i32
    %dma_wait3A_43 = tpu.memref_slice %arg10[%dma_wait3A_42] : memref<128xf32, #tpu.memory_space<vmem>> -> memref<128xf32, #tpu.memory_space<vmem>>
    %dma_wait3A_44 = arith.constant 0 : i32
    %dma_wait3A_45 = tpu.memref_slice %arg8[%dma_wait3A_41, %dma_wait3A_44] : memref<1x128xi32, #tpu.memory_space<vmem>> -> memref<1x128xi32, #tpu.memory_space<vmem>>
    %dma_wait3A_46 = tpu.memref_squeeze %dma_wait3A_45 : memref<1x128xi32, #tpu.memory_space<vmem>> -> memref<128xi32, #tpu.memory_space<vmem>>
    %dma_wait3A_47 = arith.constant 0 : i32
    %dma_wait3A_48 = tpu.memref_slice %arg4[%dma_wait3A_47] : memref<100000xf32, #tpu.memory_space<hbm>> -> memref<100000xf32, #tpu.memory_space<hbm>>
    tpu.wait_indirect_dma semaphore(%arg12 : memref<!tpu.dma_semaphore, #tpu.memory_space<semaphore_mem>>) src(%dma_wait3A_48 : memref<100000xf32, #tpu.memory_space<hbm>>) dst(%dma_wait3A_43 : memref<128xf32, #tpu.memory_space<vmem>>)
    %dma_wait3A_49 = arith.constant 0 : i32
    %dma_wait3A_50 = arith.constant 0 : i32
    %dma_wait3A_51 = tpu.memref_slice %arg11[%dma_wait3A_50] : memref<128xf32, #tpu.memory_space<vmem>> -> memref<128xf32, #tpu.memory_space<vmem>>
    %dma_wait3A_52 = arith.constant 0 : i32
    %dma_wait3A_53 = tpu.memref_slice %arg8[%dma_wait3A_49, %dma_wait3A_52] : memref<1x128xi32, #tpu.memory_space<vmem>> -> memref<1x128xi32, #tpu.memory_space<vmem>>
    %dma_wait3A_54 = tpu.memref_squeeze %dma_wait3A_53 : memref<1x128xi32, #tpu.memory_space<vmem>> -> memref<128xi32, #tpu.memory_space<vmem>>
    %dma_wait3A_55 = arith.constant 0 : i32
    %dma_wait3A_56 = tpu.memref_slice %arg5[%dma_wait3A_55] : memref<100000xf32, #tpu.memory_space<hbm>> -> memref<100000xf32, #tpu.memory_space<hbm>>
    tpu.wait_indirect_dma semaphore(%arg12 : memref<!tpu.dma_semaphore, #tpu.memory_space<semaphore_mem>>) src(%dma_wait3A_56 : memref<100000xf32, #tpu.memory_space<hbm>>) dst(%dma_wait3A_51 : memref<128xf32, #tpu.memory_space<vmem>>)
    %add3A_57 = arith.constant 0 : i32
    %add3A_58 = arith.addi %mul3A_2, %add3A_57 : i32
    %dma_start3A_59 = arith.constant 0 : i32
    %dma_start3A_60 = arith.constant 0 : i32
    %dma_start3A_61 = tpu.memref_slice %arg9[%dma_start3A_59, %dma_start3A_60] : memref<128x128xf32, #tpu.memory_space<vmem>> -> memref<128x128xf32, #tpu.memory_space<vmem>>
    %dma_start3A_62 = arith.constant 0 : i32
    %dma_start3A_63 = tpu.memref_slice %arg6[%add3A_58, %dma_start3A_62] : memref<4096x128xf32, #tpu.memory_space<hbm>> -> memref<128x128xf32, #tpu.memory_space<hbm>>
    %dma_start3A_64 = arith.constant 0 : i32
    %dma_start3A_65 = tpu.memref_slice %arg6[%add3A_58, %dma_start3A_64] : memref<4096x128xf32, #tpu.memory_space<hbm>> -> memref<128x128xf32, #tpu.memory_space<hbm>>
    %dma_start3A_66 = arith.constant 0 : i32
    %dma_start3A_67 = arith.constant 0 : i32
    %dma_start3A_68 = tpu.memref_slice %arg9[%dma_start3A_66, %dma_start3A_67] : memref<128x128xf32, #tpu.memory_space<vmem>> -> memref<128x128xf32, #tpu.memory_space<vmem>>
    tpu.enqueue_dma source(%dma_start3A_68 : memref<128x128xf32, #tpu.memory_space<vmem>>) target(%dma_start3A_65 : memref<128x128xf32, #tpu.memory_space<hbm>>) target_semaphore(%arg13 : memref<!tpu.dma_semaphore, #tpu.memory_space<semaphore_mem>>)
    %dma_start3A_69 = arith.constant 0 : i32
    %dma_start3A_70 = tpu.memref_slice %arg7[%dma_start3A_69, %mul3A_2] : memref<2x4096xf32, #tpu.memory_space<hbm>> -> memref<1x128xf32, #tpu.memory_space<hbm>>
    %dma_start3A_71 = tpu.memref_squeeze %dma_start3A_70 : memref<1x128xf32, #tpu.memory_space<hbm>> -> memref<128xf32, #tpu.memory_space<hbm>>
    %dma_start3A_72 = tpu.memref_slice %arg7[%dma_start3A_69, %mul3A_2] : memref<2x4096xf32, #tpu.memory_space<hbm>> -> memref<1x128xf32, #tpu.memory_space<hbm>>
    %dma_start3A_73 = tpu.memref_squeeze %dma_start3A_72 : memref<1x128xf32, #tpu.memory_space<hbm>> -> memref<128xf32, #tpu.memory_space<hbm>>
    tpu.enqueue_dma source(%arg10 : memref<128xf32, #tpu.memory_space<vmem>>) target(%dma_start3A_73 : memref<128xf32, #tpu.memory_space<hbm>>) target_semaphore(%arg13 : memref<!tpu.dma_semaphore, #tpu.memory_space<semaphore_mem>>)
    %dma_start3A_74 = arith.constant 1 : i32
    %dma_start3A_75 = tpu.memref_slice %arg7[%dma_start3A_74, %mul3A_2] : memref<2x4096xf32, #tpu.memory_space<hbm>> -> memref<1x128xf32, #tpu.memory_space<hbm>>
    %dma_start3A_76 = tpu.memref_squeeze %dma_start3A_75 : memref<1x128xf32, #tpu.memory_space<hbm>> -> memref<128xf32, #tpu.memory_space<hbm>>
    %dma_start3A_77 = tpu.memref_slice %arg7[%dma_start3A_74, %mul3A_2] : memref<2x4096xf32, #tpu.memory_space<hbm>> -> memref<1x128xf32, #tpu.memory_space<hbm>>
    %dma_start3A_78 = tpu.memref_squeeze %dma_start3A_77 : memref<1x128xf32, #tpu.memory_space<hbm>> -> memref<128xf32, #tpu.memory_space<hbm>>
    tpu.enqueue_dma source(%arg11 : memref<128xf32, #tpu.memory_space<vmem>>) target(%dma_start3A_78 : memref<128xf32, #tpu.memory_space<hbm>>) target_semaphore(%arg13 : memref<!tpu.dma_semaphore, #tpu.memory_space<semaphore_mem>>)
    %dma_wait3A_79 = arith.constant 0 : i32
    %dma_wait3A_80 = arith.constant 0 : i32
    %dma_wait3A_81 = tpu.memref_slice %arg9[%dma_wait3A_79, %dma_wait3A_80] : memref<128x128xf32, #tpu.memory_space<vmem>> -> memref<128x128xf32, #tpu.memory_space<vmem>>
    %dma_wait3A_82 = arith.constant 0 : i32
    %dma_wait3A_83 = tpu.memref_slice %arg6[%add3A_58, %dma_wait3A_82] : memref<4096x128xf32, #tpu.memory_space<hbm>> -> memref<128x128xf32, #tpu.memory_space<hbm>>
    %dma_wait3A_84 = arith.constant 0 : i32
    %dma_wait3A_85 = tpu.memref_slice %arg6[%add3A_58, %dma_wait3A_84] : memref<4096x128xf32, #tpu.memory_space<hbm>> -> memref<128x128xf32, #tpu.memory_space<hbm>>
    %dma_wait3A_86 = arith.constant 0 : i32
    %dma_wait3A_87 = arith.constant 0 : i32
    %dma_wait3A_88 = tpu.memref_slice %arg9[%dma_wait3A_86, %dma_wait3A_87] : memref<128x128xf32, #tpu.memory_space<vmem>> -> memref<128x128xf32, #tpu.memory_space<vmem>>
    tpu.wait_dma2 semaphore(%arg13 : memref<!tpu.dma_semaphore, #tpu.memory_space<semaphore_mem>>) src(%dma_wait3A_88 : memref<128x128xf32, #tpu.memory_space<vmem>>) dst(%dma_wait3A_85 : memref<128x128xf32, #tpu.memory_space<hbm>>)
    %dma_wait3A_89 = arith.constant 0 : i32
    %dma_wait3A_90 = tpu.memref_slice %arg7[%dma_wait3A_89, %mul3A_2] : memref<2x4096xf32, #tpu.memory_space<hbm>> -> memref<1x128xf32, #tpu.memory_space<hbm>>
    %dma_wait3A_91 = tpu.memref_squeeze %dma_wait3A_90 : memref<1x128xf32, #tpu.memory_space<hbm>> -> memref<128xf32, #tpu.memory_space<hbm>>
    %dma_wait3A_92 = tpu.memref_slice %arg7[%dma_wait3A_89, %mul3A_2] : memref<2x4096xf32, #tpu.memory_space<hbm>> -> memref<1x128xf32, #tpu.memory_space<hbm>>
    %dma_wait3A_93 = tpu.memref_squeeze %dma_wait3A_92 : memref<1x128xf32, #tpu.memory_space<hbm>> -> memref<128xf32, #tpu.memory_space<hbm>>
    tpu.wait_dma2 semaphore(%arg13 : memref<!tpu.dma_semaphore, #tpu.memory_space<semaphore_mem>>) src(%arg10 : memref<128xf32, #tpu.memory_space<vmem>>) dst(%dma_wait3A_93 : memref<128xf32, #tpu.memory_space<hbm>>)
    %dma_wait3A_94 = arith.constant 1 : i32
    %dma_wait3A_95 = tpu.memref_slice %arg7[%dma_wait3A_94, %mul3A_2] : memref<2x4096xf32, #tpu.memory_space<hbm>> -> memref<1x128xf32, #tpu.memory_space<hbm>>
    %dma_wait3A_96 = tpu.memref_squeeze %dma_wait3A_95 : memref<1x128xf32, #tpu.memory_space<hbm>> -> memref<128xf32, #tpu.memory_space<hbm>>
    %dma_wait3A_97 = tpu.memref_slice %arg7[%dma_wait3A_94, %mul3A_2] : memref<2x4096xf32, #tpu.memory_space<hbm>> -> memref<1x128xf32, #tpu.memory_space<hbm>>
    %dma_wait3A_98 = tpu.memref_squeeze %dma_wait3A_97 : memref<1x128xf32, #tpu.memory_space<hbm>> -> memref<128xf32, #tpu.memory_space<hbm>>
    tpu.wait_dma2 semaphore(%arg13 : memref<!tpu.dma_semaphore, #tpu.memory_space<semaphore_mem>>) src(%arg11 : memref<128xf32, #tpu.memory_space<vmem>>) dst(%dma_wait3A_98 : memref<128xf32, #tpu.memory_space<hbm>>)
    return
  }
}

module attributes {stable_mosaic.version = 14 : i64} {
  func.func @_lambda_(%arg0: i32, %arg1: memref<8x128xf32, #tpu.memory_space<vmem>>, %arg2: memref<2048x128xf32, #tpu.memory_space<vmem>>, %arg3: memref<2x2048xf32, #tpu.memory_space<vmem>>, %arg4: memref<128x128xf32, #tpu.memory_space<vmem>>, %arg5: memref<128x2xf32, #tpu.memory_space<vmem>>, %arg6: memref<1x128xf32, #tpu.memory_space<vmem>>, %arg7: memref<1x128xf32, #tpu.memory_space<vmem>>, %arg8: memref<2048x128xf32, #tpu.memory_space<vmem>>) attributes {dimension_semantics = [#tpu.dimension_semantics<arbitrary>], iteration_bounds = array<i64: 2>, scalar_prefetch = 0 : i64, scratch_operands = 0 : i64, tpu.core_type = #tpu.core_type<tc>, window_params = [{transform_indices = @transform_0, window_bounds = array<i64: 8, 128>}, {transform_indices = @transform_1, window_bounds = array<i64: 2048, 128>}, {transform_indices = @transform_2, window_bounds = array<i64: 2, 2048>}, {pipeline_mode = #tpu.pipeline_mode<synchronous>, transform_indices = @transform_3, window_bounds = array<i64: 128, 128>}, {pipeline_mode = #tpu.pipeline_mode<synchronous>, transform_indices = @transform_4, window_bounds = array<i64: 128, 2>}, {pipeline_mode = #tpu.pipeline_mode<synchronous>, transform_indices = @transform_5, window_bounds = array<i64: 1, 128>}, {pipeline_mode = #tpu.pipeline_mode<synchronous>, transform_indices = @transform_6, window_bounds = array<i64: 1, 128>}, {transform_indices = @transform_7, window_bounds = array<i64: 2048, 128>}]} {
    %get3A = arith.constant 0 : index
    %get3A_0 = arith.constant 0 : index
    %get3A_1 = vector.load %arg2[%get3A, %get3A_0] : memref<2048x128xf32, #tpu.memory_space<vmem>>, vector<2048x128xf32>
    %get3A_2 = arith.constant 0 : index
    %get3A_3 = arith.constant 0 : index
    %get3A_4 = vector.load %arg4[%get3A_2, %get3A_3] : memref<128x128xf32, #tpu.memory_space<vmem>>, vector<128x128xf32>
    %dot_general3A = arith.constant dense<0.000000e+00> : vector<2048x128xf32>
    %dot_general3A_5 = tpu.matmul %get3A_1, %get3A_4, %dot_general3A {dimension_numbers = #tpu.dot_dimension_numbers<[1], [1], [0], [0], [0, 0, 1, 0], [], []>, transpose_lhs_hint = false} : vector<2048x128xf32>, vector<128x128xf32>, vector<2048x128xf32> -> vector<2048x128xf32>
    %get3A_6 = arith.constant 0 : index
    %get3A_7 = arith.constant 0 : index
    %get3A_8 = vector.load %arg3[%get3A_6, %get3A_7] : memref<2x2048xf32, #tpu.memory_space<vmem>>, vector<2x2048xf32>
    %get3A_9 = arith.constant 0 : index
    %get3A_10 = arith.constant 0 : index
    %get3A_11 = vector.load %arg5[%get3A_9, %get3A_10] : memref<128x2xf32, #tpu.memory_space<vmem>>, vector<128x2xf32>
    %dot_general3A_12 = arith.constant dense<0.000000e+00> : vector<2048x128xf32>
    %dot_general3A_13 = tpu.matmul %get3A_8, %get3A_11, %dot_general3A_12 {dimension_numbers = #tpu.dot_dimension_numbers<[0], [1], [1], [0], [0, 1, 1, 0], [], []>, transpose_lhs_hint = false} : vector<2x2048xf32>, vector<128x2xf32>, vector<2048x128xf32> -> vector<2048x128xf32>
    %add3A = arith.addf %dot_general3A_5, %dot_general3A_13 : vector<2048x128xf32>
    %get3A_14 = arith.constant 0 : index
    %get3A_15 = arith.constant 0 : index
    %get3A_16 = vector.load %arg6[%get3A_14, %get3A_15] : memref<1x128xf32, #tpu.memory_space<vmem>>, vector<1x128xf32>
    %add3A_17 = vector.broadcast %get3A_16 : vector<1x128xf32> to vector<2048x128xf32>
    %add3A_18 = arith.addf %add3A, %add3A_17 : vector<2048x128xf32>
    %get3A_19 = arith.constant 0 : index
    %get3A_20 = arith.constant 0 : index
    %get3A_21 = vector.load %arg7[%get3A_19, %get3A_20] : memref<1x128xf32, #tpu.memory_space<vmem>>, vector<1x128xf32>
    %add3A_22 = vector.broadcast %get3A_21 : vector<1x128xf32> to vector<2048x128xf32>
    %add3A_23 = arith.addf %add3A_18, %add3A_22 : vector<2048x128xf32>
    %swap3A = arith.constant 0 : index
    %swap3A_24 = arith.constant 0 : index
    %swap3A_25 = vector.load %arg8[%swap3A, %swap3A_24] : memref<2048x128xf32, #tpu.memory_space<vmem>>, vector<2048x128xf32>
    tpu.vector_store %arg8[%swap3A, %swap3A_24], %add3A_23 {strides = array<i32>} : memref<2048x128xf32, #tpu.memory_space<vmem>>, vector<2048x128xf32>,
    return
  }
  func.func @transform_0(%arg0: i32) -> (i32, i32) {
    %c0_i32 = arith.constant 0 : i32
    %c0_i32_0 = arith.constant 0 : i32
    %c0_i32_1 = arith.constant 0 : i32
    return %c0_i32, %c0_i32_0 : i32, i32
  }
  func.func @transform_1(%arg0: i32) -> (i32, i32) {
    %c0_i32 = arith.constant 0 : i32
    %c0_i32_0 = arith.constant 0 : i32
    return %arg0, %c0_i32 : i32, i32
  }
  func.func @transform_2(%arg0: i32) -> (i32, i32) {
    %c0_i32 = arith.constant 0 : i32
    %c0_i32_0 = arith.constant 0 : i32
    return %c0_i32, %arg0 : i32, i32
  }
  func.func @transform_3(%arg0: i32) -> (i32, i32) {
    %c0_i32 = arith.constant 0 : i32
    %c0_i32_0 = arith.constant 0 : i32
    %c0_i32_1 = arith.constant 0 : i32
    return %c0_i32, %c0_i32_0 : i32, i32
  }
  func.func @transform_4(%arg0: i32) -> (i32, i32) {
    %c0_i32 = arith.constant 0 : i32
    %c0_i32_0 = arith.constant 0 : i32
    %c0_i32_1 = arith.constant 0 : i32
    return %c0_i32, %c0_i32_0 : i32, i32
  }
  func.func @transform_5(%arg0: i32) -> (i32, i32) {
    %c0_i32 = arith.constant 0 : i32
    %c0_i32_0 = arith.constant 0 : i32
    %c0_i32_1 = arith.constant 0 : i32
    return %c0_i32, %c0_i32_0 : i32, i32
  }
  func.func @transform_6(%arg0: i32) -> (i32, i32) {
    %c0_i32 = arith.constant 0 : i32
    %c0_i32_0 = arith.constant 0 : i32
    %c0_i32_1 = arith.constant 0 : i32
    return %c0_i32, %c0_i32_0 : i32, i32
  }
  func.func @transform_7(%arg0: i32) -> (i32, i32) {
    %add3A = arith.constant 6 : i32
    %add3A_0 = arith.addi %add3A, %arg0 : i32
    %c0_i32 = arith.constant 0 : i32
    %c0_i32_1 = arith.constant 0 : i32
    return %add3A_0, %c0_i32 : i32, i32
  }
}

module attributes {stable_mosaic.version = 14 : i64} {
  func.func @_combine_body(%arg0: i32, %arg1: memref<2048x128xf32, #tpu.memory_space<vmem>>, %arg2: memref<2x2048xf32, #tpu.memory_space<vmem>>, %arg3: memref<128x128xf32, #tpu.memory_space<vmem>>, %arg4: memref<128x2xf32, #tpu.memory_space<vmem>>, %arg5: memref<1x128xf32, #tpu.memory_space<vmem>>, %arg6: memref<1x128xf32, #tpu.memory_space<vmem>>, %arg7: memref<2048x128xf32, #tpu.memory_space<vmem>>) attributes {dimension_semantics = [#tpu.dimension_semantics<arbitrary>], iteration_bounds = array<i64: 4>, scalar_prefetch = 0 : i64, scratch_operands = 0 : i64, tpu.core_type = #tpu.core_type<tc>, window_params = [{transform_indices = @transform_0, window_bounds = array<i64: 2048, 128>}, {transform_indices = @transform_1, window_bounds = array<i64: 2, 2048>}, {pipeline_mode = #tpu.pipeline_mode<synchronous>, transform_indices = @transform_2, window_bounds = array<i64: 128, 128>}, {pipeline_mode = #tpu.pipeline_mode<synchronous>, transform_indices = @transform_3, window_bounds = array<i64: 128, 2>}, {pipeline_mode = #tpu.pipeline_mode<synchronous>, transform_indices = @transform_4, window_bounds = array<i64: 1, 128>}, {pipeline_mode = #tpu.pipeline_mode<synchronous>, transform_indices = @transform_5, window_bounds = array<i64: 1, 128>}, {transform_indices = @transform_6, window_bounds = array<i64: 2048, 128>}]} {
    %get3A = arith.constant 0 : index
    %get3A_0 = arith.constant 0 : index
    %get3A_1 = vector.load %arg1[%get3A, %get3A_0] : memref<2048x128xf32, #tpu.memory_space<vmem>>, vector<2048x128xf32>
    %get3A_2 = arith.constant 0 : index
    %get3A_3 = arith.constant 0 : index
    %get3A_4 = vector.load %arg3[%get3A_2, %get3A_3] : memref<128x128xf32, #tpu.memory_space<vmem>>, vector<128x128xf32>
    %dot_general3A = arith.constant dense<0.000000e+00> : vector<2048x128xf32>
    %dot_general3A_5 = tpu.matmul %get3A_1, %get3A_4, %dot_general3A {dimension_numbers = #tpu.dot_dimension_numbers<[1], [1], [0], [0], [0, 0, 1, 0], [], []>, transpose_lhs_hint = false} : vector<2048x128xf32>, vector<128x128xf32>, vector<2048x128xf32> -> vector<2048x128xf32>
    %get3A_6 = arith.constant 0 : index
    %get3A_7 = arith.constant 0 : index
    %get3A_8 = vector.load %arg2[%get3A_6, %get3A_7] : memref<2x2048xf32, #tpu.memory_space<vmem>>, vector<2x2048xf32>
    %get3A_9 = arith.constant 0 : index
    %get3A_10 = arith.constant 0 : index
    %get3A_11 = vector.load %arg4[%get3A_9, %get3A_10] : memref<128x2xf32, #tpu.memory_space<vmem>>, vector<128x2xf32>
    %dot_general3A_12 = arith.constant dense<0.000000e+00> : vector<2048x128xf32>
    %dot_general3A_13 = tpu.matmul %get3A_8, %get3A_11, %dot_general3A_12 {dimension_numbers = #tpu.dot_dimension_numbers<[0], [1], [1], [0], [0, 1, 1, 0], [], []>, transpose_lhs_hint = false} : vector<2x2048xf32>, vector<128x2xf32>, vector<2048x128xf32> -> vector<2048x128xf32>
    %add3A = arith.addf %dot_general3A_5, %dot_general3A_13 : vector<2048x128xf32>
    %get3A_14 = arith.constant 0 : index
    %get3A_15 = arith.constant 0 : index
    %get3A_16 = vector.load %arg5[%get3A_14, %get3A_15] : memref<1x128xf32, #tpu.memory_space<vmem>>, vector<1x128xf32>
    %add3A_17 = vector.broadcast %get3A_16 : vector<1x128xf32> to vector<2048x128xf32>
    %add3A_18 = arith.addf %add3A, %add3A_17 : vector<2048x128xf32>
    %get3A_19 = arith.constant 0 : index
    %get3A_20 = arith.constant 0 : index
    %get3A_21 = vector.load %arg6[%get3A_19, %get3A_20] : memref<1x128xf32, #tpu.memory_space<vmem>>, vector<1x128xf32>
    %add3A_22 = vector.broadcast %get3A_21 : vector<1x128xf32> to vector<2048x128xf32>
    %add3A_23 = arith.addf %add3A_18, %add3A_22 : vector<2048x128xf32>
    %swap3A = arith.constant 0 : index
    %swap3A_24 = arith.constant 0 : index
    %swap3A_25 = vector.load %arg7[%swap3A, %swap3A_24] : memref<2048x128xf32, #tpu.memory_space<vmem>>, vector<2048x128xf32>
    tpu.vector_store %arg7[%swap3A, %swap3A_24], %add3A_23 {strides = array<i32>} : memref<2048x128xf32, #tpu.memory_space<vmem>>, vector<2048x128xf32>,
    return
  }
  func.func @transform_0(%arg0: i32) -> (i32, i32) {
    %c0_i32 = arith.constant 0 : i32
    %c0_i32_0 = arith.constant 0 : i32
    return %arg0, %c0_i32 : i32, i32
  }
  func.func @transform_1(%arg0: i32) -> (i32, i32) {
    %c0_i32 = arith.constant 0 : i32
    %c0_i32_0 = arith.constant 0 : i32
    return %c0_i32, %arg0 : i32, i32
  }
  func.func @transform_2(%arg0: i32) -> (i32, i32) {
    %c0_i32 = arith.constant 0 : i32
    %c0_i32_0 = arith.constant 0 : i32
    %c0_i32_1 = arith.constant 0 : i32
    return %c0_i32, %c0_i32_0 : i32, i32
  }
  func.func @transform_3(%arg0: i32) -> (i32, i32) {
    %c0_i32 = arith.constant 0 : i32
    %c0_i32_0 = arith.constant 0 : i32
    %c0_i32_1 = arith.constant 0 : i32
    return %c0_i32, %c0_i32_0 : i32, i32
  }
  func.func @transform_4(%arg0: i32) -> (i32, i32) {
    %c0_i32 = arith.constant 0 : i32
    %c0_i32_0 = arith.constant 0 : i32
    %c0_i32_1 = arith.constant 0 : i32
    return %c0_i32, %c0_i32_0 : i32, i32
  }
  func.func @transform_5(%arg0: i32) -> (i32, i32) {
    %c0_i32 = arith.constant 0 : i32
    %c0_i32_0 = arith.constant 0 : i32
    %c0_i32_1 = arith.constant 0 : i32
    return %c0_i32, %c0_i32_0 : i32, i32
  }
  func.func @transform_6(%arg0: i32) -> (i32, i32) {
    %add3A = arith.constant 0 : i32
    %add3A_0 = arith.addi %add3A, %arg0 : i32
    %c0_i32 = arith.constant 0 : i32
    %c0_i32_1 = arith.constant 0 : i32
    return %add3A_0, %c0_i32 : i32, i32
  }
}

module attributes {stable_mosaic.version = 14 : i64} {
  func.func @_lambda_(%arg0: i32, %arg1: memref<8x128xf32, #tpu.memory_space<vmem>>, %arg2: memref<2048x128xf32, #tpu.memory_space<vmem>>, %arg3: memref<2x2048xf32, #tpu.memory_space<vmem>>, %arg4: memref<128x128xf32, #tpu.memory_space<vmem>>, %arg5: memref<128x2xf32, #tpu.memory_space<vmem>>, %arg6: memref<1x128xf32, #tpu.memory_space<vmem>>, %arg7: memref<1x128xf32, #tpu.memory_space<vmem>>, %arg8: memref<2048x128xf32, #tpu.memory_space<vmem>>) attributes {dimension_semantics = [#tpu.dimension_semantics<arbitrary>], iteration_bounds = array<i64: 2>, scalar_prefetch = 0 : i64, scratch_operands = 0 : i64, tpu.core_type = #tpu.core_type<tc>, window_params = [{transform_indices = @transform_0, window_bounds = array<i64: 8, 128>}, {transform_indices = @transform_1, window_bounds = array<i64: 2048, 128>}, {transform_indices = @transform_2, window_bounds = array<i64: 2, 2048>}, {pipeline_mode = #tpu.pipeline_mode<synchronous>, transform_indices = @transform_3, window_bounds = array<i64: 128, 128>}, {pipeline_mode = #tpu.pipeline_mode<synchronous>, transform_indices = @transform_4, window_bounds = array<i64: 128, 2>}, {pipeline_mode = #tpu.pipeline_mode<synchronous>, transform_indices = @transform_5, window_bounds = array<i64: 1, 128>}, {pipeline_mode = #tpu.pipeline_mode<synchronous>, transform_indices = @transform_6, window_bounds = array<i64: 1, 128>}, {transform_indices = @transform_7, window_bounds = array<i64: 2048, 128>}]} {
    %get3A = arith.constant 0 : index
    %get3A_0 = arith.constant 0 : index
    %get3A_1 = vector.load %arg2[%get3A, %get3A_0] : memref<2048x128xf32, #tpu.memory_space<vmem>>, vector<2048x128xf32>
    %get3A_2 = arith.constant 0 : index
    %get3A_3 = arith.constant 0 : index
    %get3A_4 = vector.load %arg4[%get3A_2, %get3A_3] : memref<128x128xf32, #tpu.memory_space<vmem>>, vector<128x128xf32>
    %dot_general3A = arith.constant dense<0.000000e+00> : vector<2048x128xf32>
    %dot_general3A_5 = tpu.matmul %get3A_1, %get3A_4, %dot_general3A {dimension_numbers = #tpu.dot_dimension_numbers<[1], [1], [0], [0], [0, 0, 1, 0], [], []>, transpose_lhs_hint = false} : vector<2048x128xf32>, vector<128x128xf32>, vector<2048x128xf32> -> vector<2048x128xf32>
    %get3A_6 = arith.constant 0 : index
    %get3A_7 = arith.constant 0 : index
    %get3A_8 = vector.load %arg3[%get3A_6, %get3A_7] : memref<2x2048xf32, #tpu.memory_space<vmem>>, vector<2x2048xf32>
    %get3A_9 = arith.constant 0 : index
    %get3A_10 = arith.constant 0 : index
    %get3A_11 = vector.load %arg5[%get3A_9, %get3A_10] : memref<128x2xf32, #tpu.memory_space<vmem>>, vector<128x2xf32>
    %dot_general3A_12 = arith.constant dense<0.000000e+00> : vector<2048x128xf32>
    %dot_general3A_13 = tpu.matmul %get3A_8, %get3A_11, %dot_general3A_12 {dimension_numbers = #tpu.dot_dimension_numbers<[0], [1], [1], [0], [0, 1, 1, 0], [], []>, transpose_lhs_hint = false} : vector<2x2048xf32>, vector<128x2xf32>, vector<2048x128xf32> -> vector<2048x128xf32>
    %add3A = arith.addf %dot_general3A_5, %dot_general3A_13 : vector<2048x128xf32>
    %get3A_14 = arith.constant 0 : index
    %get3A_15 = arith.constant 0 : index
    %get3A_16 = vector.load %arg6[%get3A_14, %get3A_15] : memref<1x128xf32, #tpu.memory_space<vmem>>, vector<1x128xf32>
    %add3A_17 = vector.broadcast %get3A_16 : vector<1x128xf32> to vector<2048x128xf32>
    %add3A_18 = arith.addf %add3A, %add3A_17 : vector<2048x128xf32>
    %get3A_19 = arith.constant 0 : index
    %get3A_20 = arith.constant 0 : index
    %get3A_21 = vector.load %arg7[%get3A_19, %get3A_20] : memref<1x128xf32, #tpu.memory_space<vmem>>, vector<1x128xf32>
    %add3A_22 = vector.broadcast %get3A_21 : vector<1x128xf32> to vector<2048x128xf32>
    %add3A_23 = arith.addf %add3A_18, %add3A_22 : vector<2048x128xf32>
    %swap3A = arith.constant 0 : index
    %swap3A_24 = arith.constant 0 : index
    %swap3A_25 = vector.load %arg8[%swap3A, %swap3A_24] : memref<2048x128xf32, #tpu.memory_space<vmem>>, vector<2048x128xf32>
    tpu.vector_store %arg8[%swap3A, %swap3A_24], %add3A_23 {strides = array<i32>} : memref<2048x128xf32, #tpu.memory_space<vmem>>, vector<2048x128xf32>,
    return
  }
  func.func @transform_0(%arg0: i32) -> (i32, i32) {
    %c0_i32 = arith.constant 0 : i32
    %c0_i32_0 = arith.constant 0 : i32
    %c0_i32_1 = arith.constant 0 : i32
    return %c0_i32, %c0_i32_0 : i32, i32
  }
  func.func @transform_1(%arg0: i32) -> (i32, i32) {
    %c0_i32 = arith.constant 0 : i32
    %c0_i32_0 = arith.constant 0 : i32
    return %arg0, %c0_i32 : i32, i32
  }
  func.func @transform_2(%arg0: i32) -> (i32, i32) {
    %c0_i32 = arith.constant 0 : i32
    %c0_i32_0 = arith.constant 0 : i32
    return %c0_i32, %arg0 : i32, i32
  }
  func.func @transform_3(%arg0: i32) -> (i32, i32) {
    %c0_i32 = arith.constant 0 : i32
    %c0_i32_0 = arith.constant 0 : i32
    %c0_i32_1 = arith.constant 0 : i32
    return %c0_i32, %c0_i32_0 : i32, i32
  }
  func.func @transform_4(%arg0: i32) -> (i32, i32) {
    %c0_i32 = arith.constant 0 : i32
    %c0_i32_0 = arith.constant 0 : i32
    %c0_i32_1 = arith.constant 0 : i32
    return %c0_i32, %c0_i32_0 : i32, i32
  }
  func.func @transform_5(%arg0: i32) -> (i32, i32) {
    %c0_i32 = arith.constant 0 : i32
    %c0_i32_0 = arith.constant 0 : i32
    %c0_i32_1 = arith.constant 0 : i32
    return %c0_i32, %c0_i32_0 : i32, i32
  }
  func.func @transform_6(%arg0: i32) -> (i32, i32) {
    %c0_i32 = arith.constant 0 : i32
    %c0_i32_0 = arith.constant 0 : i32
    %c0_i32_1 = arith.constant 0 : i32
    return %c0_i32, %c0_i32_0 : i32, i32
  }
  func.func @transform_7(%arg0: i32) -> (i32, i32) {
    %add3A = arith.constant 4 : i32
    %add3A_0 = arith.addi %add3A, %arg0 : i32
    %c0_i32 = arith.constant 0 : i32
    %c0_i32_1 = arith.constant 0 : i32
    return %add3A_0, %c0_i32 : i32, i32
  }
}

</mosaic_0001>

<sc_bundles>
// kernel: kernel.11.cloned.1.call-start
scs
__scs_entry_jumppad:
0x0: {  	(pc) =	sbr.rel $0x88, $3  }
0x1: {  	(tag) =	ssettag $0x0;
	lr =	simm.s32 $0x1  }
0x2: {  	[smem:$0x3F99] =	sst lr;
	_ =	strace $0xD0000000  }
0x3: {  	_ = 	snop  }
0x4: {  	_ = 	snop  }
0x5: {  	_ = 	snop  }
0x6: {  	_ = 	snop  }
0x7: {  	_ = 	snop  }
__scs_overlays_trampoline_lowered:
0x8: {  	[smem:$0x3FA8] =	sst s0  }
0x9: {  	[smem:$0x3FA9] =	sst s1  }
0xa: {  	[smem:$0x3FAA] =	sst s2  }
0xb: {  	[smem:$0x3FAB] =	sst s3  }
0xc: {  	[smem:$0x3FAC] =	sst s4  }
0xd: {  	[smem:$0x3FAD] =	sst s5  }
0xe: {  	[smem:$0x3FAE] =	sst s6  }
0xf: {  	[smem:$0x3FAF] =	sst s7  }
0x10: {  	[smem:$0x3FB0] =	sst s8  }
0x11: {  	[smem:$0x3FB1] =	sst s9;
	s0 =	simm.s32 @!p0 $0x0  }
0x12: {  	s1 =	sld [smem:$0x3F97];
	s0 =	simm.s32 @p0 $0x1  }
0x13: {  	[smem:$0x3FB2] =	sst s0;
	s0 =	simm.s32 @!p1 $0x0  }
0x14: {  	s2 =	sld [smem:$0x3F96];
	s0 =	simm.s32 @p1 $0x1  }
0x15: {  	[smem:$0x3FB3] =	sst s0;
	s0 =	simm.s32 @!p2 $0x0  }
0x16: {  	s3 =	sld [smem:$0x3FDB];
	s0 =	simm.s32 @p2 $0x1  }
0x17: {  	s4 =	simm.s32 $0x1BF5;
	[smem:$0x3FB5] =	sst s0  }
0x18: {  	s0 =	sld [smem:$0x3F98];
	_ =	swait.ge [sflag:s4], $0x0  }
0x19: {  	s7 =	sld [smem:$0x3F99]  }
0x1a: {  	s8 =	sadd.s32 $0xFFFFE003, lr  }
0x1b: {  	s9 =	sadd.s32 $0xFFFFFEF7, lr;
	s5 =	simm.s32 $0xFFFFFFFF;
	p2 =	slt.u32 s8, $0xFFFFF086  }
0x1c: {  	p1 =	slt.u32 s9, $0xF7A;
	s5 =	simm.s32 @!p2 $0x0  }
0x1d: {  	s5 =	simm.s32 @p1 $0x1;
	p0 =	seq.s32 s7, s2  }
0x1e: {  	s7 =	smul.u32 @!p0 $0xF7A, s2;
	p2 =	seq.s32 @!p0 s5, $0x0  }
0x1f: {  	s9 =	smul.u32 $0xF7A, s1;
	s8 =	simm.s32 @!p0 $0x1BF5;
	p2 =	por !p2, p0  }
0x20: {  	[sflag:s8] =	ssyncset.s32 @!p0 $0xFFFFF086;
	s6 =	sadd.s32 @!p0 s3, s7;
	s7 =	simm.s32 @!p0 $0x108  }
0x21: {  	s3 =	sadd.s32 s3, s9;
	s6 =	sadd.s32 @!p0 $0x88, s6;
	s7 =	simm.s32 @p2 $0x1082  }
0x22: {  	[simem:s7], [sflag:s8] =	dma.local @!p0 [hbm:s6], $0xF7A  }
0x23: {  	s9 =	sor.u32 $0xD0000000, s2;
	s6 =	simm.s32 $0x108;
	_ =	swait.ge @!p0 [sflag:s8], $0x0  }
0x24: {  	s3 =	sadd.s32 $0x88, s3;
	s6 =	simm.s32 @!p1 $0x1082;
	[sflag:s4] =	ssyncset.s32 $0xFFFFF086  }
0x25: {  	[simem:s6], [sflag:s4] =	dma.local [hbm:s3], $0xF7A  }
0x26: {  	[smem:$0x3F99] =	sst s1;
	(tag) =	ssettag s2;
	_ =	strace s9  }
0x27: {  	s1 =	sld [smem:$0x3FA9]  }
0x28: {  	s2 =	sld [smem:$0x3FAA]  }
0x29: {  	s4 =	sld [smem:$0x3FAC]  }
0x2a: {  	p0 =	seq.s32 s5, $0x0;
	s5 =	sld [smem:$0x3FAD]  }
0x2b: {  	s6 =	sld [smem:$0x3FAE]  }
0x2c: {  	s7 =	sld [smem:$0x3FAF]  }
0x2d: {  	s3 =	simm.s32 $0x108;
	s8 =	sld [smem:$0x3FB0]  }
0x2e: {  	s3 =	simm.s32 @!p0 $0x1082;
	s9 =	sld [smem:$0x3FB1]  }
0x2f: {  	lr =	sadd.s32 s0, s3;
	s0 =	sld [smem:$0x3FA8]  }
0x30: {  	s3 =	sld [smem:$0x3FAB]  }
0x31: {  	[smem:$0x3FB4] =	sst s10  }
0x32: {  	s10 =	sld [smem:$0x3FB2];
	_ =	sdelay $0x3  }
0x33: {  	p0 =	seq.s32 s10, $0x1;
	s10 =	sld [smem:$0x3FB4];
	_ =	sdelay $0x3  }
0x34: {  	[smem:$0x3FB4] =	sst s10  }
0x35: {  	s10 =	sld [smem:$0x3FB3];
	_ =	sdelay $0x3  }
0x36: {  	p1 =	seq.s32 s10, $0x1;
	s10 =	sld [smem:$0x3FB4];
	_ =	sdelay $0x3  }
0x37: {  	[smem:$0x3FB4] =	sst s10  }
0x38: {  	s10 =	sld [smem:$0x3FB5]  }
0x39: {  	_ = 	snop;
	(pc) =	sbr.ind lr, $3  }
0x3a: {  	_ = 	snop  }
0x3b: {  	_ = 	snop  }
0x3c: {  	p2 =	seq.s32 s10, $0x1;
	s10 =	sld [smem:$0x3FB4]  }
0x3d: {  	_ =	shalt  }
0x3e: {  	_ =	shalt  }
0x3f: {  	_ =	shalt  }
0x40: {  	_ =	shalt  }
0x41: {  	_ =	shalt  }
0x42: {  	_ =	shalt  }
0x43: {  	_ =	shalt  }
0x44: {  	_ =	shalt  }
0x45: {  	_ =	shalt  }
0x46: {  	_ =	shalt  }
0x47: {  	_ =	shalt  }
0x48: {  	_ =	shalt  }
0x49: {  	_ =	shalt  }
0x4a: {  	_ =	shalt  }
0x4b: {  	_ =	shalt  }
0x4c: {  	_ =	shalt  }
0x4d: {  	_ =	shalt  }
0x4e: {  	_ =	shalt  }
0x4f: {  	_ =	shalt  }
0x50: {  	_ =	shalt  }
0x51: {  	_ =	shalt  }
0x52: {  	_ =	shalt  }
0x53: {  	_ =	shalt  }
0x54: {  	_ =	shalt  }
0x55: {  	_ =	shalt  }
0x56: {  	_ =	shalt  }
0x57: {  	_ =	shalt  }
0x58: {  	_ =	shalt  }
0x59: {  	_ =	shalt  }
0x5a: {  	_ =	shalt  }
0x5b: {  	_ =	shalt  }
0x5c: {  	_ =	shalt  }
0x5d: {  	_ =	shalt  }
0x5e: {  	_ =	shalt  }
0x5f: {  	_ =	shalt  }
0x60: {  	_ =	shalt  }
0x61: {  	_ =	shalt  }
0x62: {  	_ =	shalt  }
0x63: {  	_ =	shalt  }
0x64: {  	_ =	shalt  }
0x65: {  	_ =	shalt  }
0x66: {  	_ =	shalt  }
0x67: {  	_ =	shalt  }
0x68: {  	_ =	shalt  }
0x69: {  	_ =	shalt  }
0x6a: {  	_ =	shalt  }
0x6b: {  	_ =	shalt  }
0x6c: {  	_ =	shalt  }
0x6d: {  	_ =	shalt  }
0x6e: {  	_ =	shalt  }
0x6f: {  	_ =	shalt  }
0x70: {  	_ =	shalt  }
0x71: {  	_ =	shalt  }
0x72: {  	_ =	shalt  }
0x73: {  	_ =	shalt  }
0x74: {  	_ =	shalt  }
0x75: {  	_ =	shalt  }
0x76: {  	_ =	shalt  }
0x77: {  	_ =	shalt  }
0x78: {  	_ =	shalt  }
0x79: {  	_ =	shalt  }
0x7a: {  	_ =	shalt  }
0x7b: {  	_ =	shalt  }
0x7c: {  	_ =	shalt  }
0x7d: {  	_ =	shalt  }
0x7e: {  	_ =	shalt  }
0x7f: {  	_ =	shalt  }
0x80: {  	_ =	shalt  }
0x81: {  	_ =	shalt  }
0x82: {  	_ =	shalt  }
0x83: {  	_ =	shalt  }
0x84: {  	_ =	shalt  }
0x85: {  	_ =	shalt  }
0x86: {  	_ =	shalt  }
0x87: {  	_ =	shalt  }
.Lfunc_end0:
.L_simem_size_0:
called_computation.1_lowered:
.L_overlay_start_0:
0x88: {  	s2 =	sld [smem:$0x3FD9]  }
0x89: {  	s3 =	sld [smem:$0x3FFE];
	_ =	sdelay $0x1  }
0x8a: {  	s1 =	srdreg.scid  }
0x8b: {  	s0 =	sand.u32 $0x1, s1  }
0x8c: {  	s17 =	sshll.u32 s0, $0xA;
	s2 =	sadd.s32 s3, s2  }
0x8d: {  	s2 =	sadd.s32 s2, s17  }
0x8e: {  	[smem:$0x3FC0] =	sst s2  }
0x8f: {  	_ = 	snop  }
0x90: {  	s18 =	sld [smem:$0x3FC9]  }
0x91: {  	s4 =	sld [smem:$0x3FC8]  }
0x92: {  	s5 =	sld [smem:$0x3FC7]  }
0x93: {  	s6 =	sld [smem:$0x3FC6];
	(tm) =	ssettm $0x1  }
0x94: {  	s19 =	sld [smem:$0x3FFB];
	_ =	sdelay $0x3  }
0x95: {  	_ =	strace s19  }
0x96: {  	s2 =	sld [smem:$0x3FFC];
	_ =	sdelay $0x3  }
0x97: {  	_ =	strace s2  }
0x98: {  	s2 =	sld [smem:$0x3FFD];
	_ =	sdelay $0x3  }
0x99: {  	_ =	strace s2  }
0x9a: {  	_ =	strace $0x8FFFFFFF  }
0x9b: {  	s20 =	sld [smem:$0x3FDB];
	_ =	sdelay $0x1  }
0x9c: {  	s7 =	simm.s32 $_scs_section_size  }
0x9d: {  	s8 =	simm.s32 $_size__tile_overlayer_lowered;
	s9 =	simm.s32 $_tile_overlayer_lowered  }
0x9e: {  	s10 =	simm.s32 $0x1BFF;
	s21 =	sshll.u32 s9, $0x1;
	s7 =	sadd.s32 s7, s20  }
0x9f: {  	s22 =	simm.s32 $0x0;
	s8 =	sshll.u32 s8, $0x1;
	s9 =	sadd.s32 s21, s7  }
0xa0: {  	[timem:s22], [sflag:s10] =	dma.local [hbm:s9], s8  }
0xa1: {  	_ =	swait.ge [sflag:s10], s8  }
0xa2: {  	s8 =	ssub.s32 $0x0, s8;
	[sflag:s10] =	ssyncset.done $0x0  }
0xa3: {  	[sflag:s10] =	ssyncadd.s32 s8;
	_ =	sdelay $0x1  }
0xa4: {  	s23 =	simm.s32 $0x1B8B  }
0xa5: {  	_ =	swait.ge [sflag:s23], $0x1  }
0xa6: {  	[sflag:s23] =	ssyncset.done $0x0  }
0xa7: {  	[sflag:s23] =	ssyncadd.s32 $0xFFFFFFFF  }
0xa8: {  	s8 =	sld [smem:$0x0]  }
0xa9: {  	s9 =	sand.u32 $0xFFFFFFFE, s1  }
0xaa: {  	p0 =	sne.s32 s1, s9  }
0xab: {  	s9 =	sshll.u32 @p0 s9, $0xE  }
0xac: {  	s9 =	sadd.s32 @p0 $0x11B8D, s9;
	s10 =	sshll.u32 @p0 s8, $0x11  }
0xad: {  	s9 =	sor.u32 @p0 s10, s9  }
0xae: {  	[sflag:s9] =	ssyncadd.remote.s32 @p0 $0x1;
	_ =	sdelay $0x1  }
0xaf: {  	s9 =	simm.s32 @p0 $0x1B8D  }
0xb0: {  	_ =	swait.eq @p0 [sflag:s9], $0x1  }
0xb1: {  	[sflag:s9] =	ssyncadd.s32 @p0 $0xFFFFFFFF  }
0xb2: {  	s10 =	sshll.u32 @!p0 s1, $0xE  }
0xb3: {  	s10 =	sor.u32 @!p0 $0x4000, s10;
	s9 =	simm.s32 @!p0 $0x1B8D  }
0xb4: {  	s8 =	sshll.u32 @!p0 s8, $0x11;
	s10 =	sadd.s32 @!p0 $0x11B8D, s10;
	_ =	swait.eq @!p0 [sflag:s9], $0x1  }
0xb5: {  	s8 =	sor.u32 @!p0 s8, s10;
	[sflag:s9] =	ssyncadd.s32 @!p0 $0xFFFFFFFF  }
0xb6: {  	s25 =	simm.s32 $0x1B8E;
	s24 =	sld [smem:$0x3FFE];
	[sflag:s8] =	ssyncadd.remote.s32 @!p0 $0x1  }
0xb7: {  	s26 =	simm.s32 $execute0_lowered;
	[smem:$0x3FD2] =	sst s25  }
0xb8: {  	s9 =	sshll.u32 s26, $0x1;
	_ =	strace $0x80000049;
	[dreg:$0x1] =	wrdreg $0xFFFFFFFF  }
0xb9: {  	s28 =	simm.s32 $_size_execute0_lowered;
	s7 =	sadd.s32 s7, s9;
	[dreg:$0x0] =	wrdreg $0x0  }
0xba: {  	s9 =	sshll.u32 s28, $0x1;
	[dreg:$0x2] =	wrdreg s7  }
0xbb: {  	[dreg:$0x3] =	wrdreg s9  }
0xbc: {  	[dreg:$0x4] =	wrdreg $0xC0  }
0xbd: {  	_ =	task [dreg:s22], $0x5FFFF  }
0xbe: {  	[dreg:$0x1] =	wrdreg $0xFFFFFFFF  }
0xbf: {  	[dreg:$0x0] =	wrdreg $0x60  }
0xc0: {  	[dreg:$0x2] =	wrdreg s18  }
0xc1: {  	[dreg:$0x3] =	wrdreg s4  }
0xc2: {  	[dreg:$0x4] =	wrdreg s5  }
0xc3: {  	[dreg:$0x5] =	wrdreg s6  }
0xc4: {  	[dreg:$0x6] =	wrdreg s24  }
0xc5: {  	[dreg:$0x7] =	wrdreg $0xA  }
0xc6: {  	_ =	task.clear_ibuf [dreg:s22], $0x8FFFF;
	_ =	strace $0x90000049  }
0xc7: {  	s29 =	simm.s32 $0xA;
	_ =	strace $0x8000004B  }
0xc8: {  	_ =	swait.ge [sflag:s29], $0x1  }
0xc9: {  	[sflag:s29] =	ssyncadd.s32 $0xFFFFFFFF  }
0xca: {  	_ =	strace $0x9000004B  }
0xcb: {  	_ =	sfence  }
0xcc: {  	s30 =	sld [smem:$0x0];
	_ =	sdelay $0x2  }
0xcd: {  	s31 =	sshll.u32 s1, $0xD;
	s1 =	sshrl.u32 s1, $0x2  }
0xce: {  	s4 =	sand.u32 $0x4000, s31;
	s1 =	sadd.s32 s1, s30  }
0xcf: {  	s0 =	sor.u32 s4, s0;
	s1 =	sshll.u32 s1, $0x11  }
0xd0: {  	s0 =	sor.u32 s1, s0  }
0xd1: {  	s0 =	sadd.s32 $0x8F2B, s0  }
0xd2: {  	[sflag:s0] =	ssyncadd.remote.s32 $0x1  }
0xd3: {  	_ =	sfence.sel $0xFFFF  }
0xd4: {  	[dreg:$0x0] =	wrdreg $0xFFFFFFFF;
	(pc) =	sbr.abs _section_cstart, $3  }
0xd5: {  	[dreg:$0x1] =	wrdreg $0xFFFFFFFF  }
0xd6: {  	_ =	task.clear_ibuf [dreg:s22], $0x2FFFF;
	_ =	strace $0x9FFFFFFF  }
0xd7: {  	(tm) =	ssettm $0x7FFFFFFF  }
tec
execute0_lowered:
.L_overlay_start_1:
0x0: {  	(tag) =	ssettag $0x1  }
0x1: {  	s6 =	rddreg [dreg:$0x0]  }
0x2: {  	s1 =	rddreg [dreg:$0x1];
	s3 =	srdreg.scid  }
0x3: {  	s2 =	rddreg [dreg:$0x2];
	s0 =	stileid.u32;
	s16 =	sand.u32 $0x1, s3  }
0x4: {  	s4 =	rddreg [dreg:$0x3];
	s31 =	sshll.u32 s0, $0x8;
	s5 =	sshll.u32 s16, $0x7  }
0x5: {  	s12 =	rddreg [dreg:$0x4];
	s13 =	sor.u32 s5, s31  }
0x6: {  	s3 =	rddreg [dreg:$0x5];
	s5 =	simm.s32 $0x0;
	s7 =	sshrl.u32 s13, $0x3  }
0x7: {  	[smem:$0x7FF] =	sst s5;
	s6 =	sadd.s32 s7, s6  }
0x8: {  	_ =	strace $0x8000004A;
	s7 =	simm.s32 $0x3;
	s6 =	sadd.s32 $0x400, s6  }
0x9: {  	[tilespmem:s5], [sflag:$0x3] =	stream.linear.gather [hbm4b:s6+s5], $0x80, $0x38;
	[tilespmem:$0x4180] =	vst v63  }
0xa: {  	_ =	swait.ge [sflag:s7], $0x80  }
0xb: {  	[sflag:s7] =	ssyncset.done $0x0  }
0xc: {  	s8 =	simm.s32 $0x80;
	[sflag:s7] =	ssyncadd.s32 $0xFFFFFF80  }
0xd: {  	[tilespmem:s8], [sflag:$0x1] =	stream.indirect.gather [hbm4b:s1+s8], $0x80, s5, s8, $0xb8;
	[tilespmem:$0x4180] =	vst v63  }
0xe: {  	s9 =	simm.s32 $0x4080  }
0xf: {  	[tilespmem:s9], [sflag:$0x1] =	stream.indirect.gather [hbm4b:s2+s8], $0x1, s5, s8, $0xb8;
	[tilespmem:$0x4180] =	vst v63  }
0x10: {  	s10 =	simm.s32 $0x4100;
	s11 =	simm.s32 $0x1  }
0x11: {  	[tilespmem:s10], [sflag:$0x1] =	stream.indirect.gather [hbm4b:s4+s8], $0x1, s5, s8, $0xb8;
	[tilespmem:$0x4180] =	vst v63  }
0x12: {  	_ =	swait.ge [sflag:s11], $0x4000  }
0x13: {  	[sflag:s11] =	ssyncset.done $0x0  }
0x14: {  	[sflag:s11] =	ssyncadd.s32 $0xFFFFC000  }
0x15: {  	_ =	swait.ge [sflag:s11], $0x80  }
0x16: {  	[sflag:s11] =	ssyncset.done $0x0  }
0x17: {  	[sflag:s11] =	ssyncadd.s32 $0xFFFFFF80  }
0x18: {  	s14 =	sshll.u32 s13, $0x4;
	_ =	swait.ge [sflag:s11], $0x80  }
0x19: {  	s13 =	sshrl.u32 s13, $0x2;
	s14 =	sadd.s32 s14, s12;
	[sflag:s11] =	ssyncset.done $0x0  }
0x1a: {  	s15 =	sadd.s32 s13, s12;
	s12 =	sadd.s32 $0x3400, s14;
	[sflag:s11] =	ssyncadd.s32 $0xFFFFFF80  }
0x1b: {  	[hbm4b:s12+s5] =	stream.linear.scatter [tilespmem:s8], [sflag:$0x2], $0x4000, $0x38;
	[tilespmem:$0x4180] =	vst v63  }
0x1c: {  	s16 =	ssub.s32 $0x2, s16;
	s13 =	sadd.s32 $0x13400, s15  }
0x1d: {  	[hbm4b:s13+s5] =	stream.linear.scatter [tilespmem:s9], [sflag:$0x2], $0x80, $0x38;
	[tilespmem:$0x4180] =	vst v63  }
0x1e: {  	s17 =	sshrl.u32 s16, $0x1;
	s15 =	sadd.s32 $0x13410, s15;
	s14 =	simm.s32 $0x2  }
0x1f: {  	[hbm4b:s15+s5] =	stream.linear.scatter [tilespmem:s10], [sflag:$0x2], $0x80, $0x38;
	[tilespmem:$0x4180] =	vst v63  }
0x20: {  	s16 =	ssub.s32 s16, s17;
	_ =	swait.ge [sflag:s14], $0x4000  }
0x21: {  	s16 =	smax.u32 s16, $0x1;
	[sflag:s14] =	ssyncset.done $0x0  }
0x22: {  	p0 =	sne.s32 s16, $0x1;
	[sflag:s14] =	ssyncadd.s32 $0xFFFFC000  }
.Ltmp0:
0x23: {  	_ =	swait.ge [sflag:s14], $0x80;
	(pc) =	sbr.rel @!p0 .LBB2_2-.Ltmp0, $4  }
0x24: {  	[sflag:s14] =	ssyncset.done $0x0  }
0x25: {  	[sflag:s14] =	ssyncadd.s32 $0xFFFFFF80  }
0x26: {  	_ =	swait.ge [sflag:s14], $0x80  }
0x27: {  	s16 =	sadd.s32 $0xFFFFFFFF, s16;
	[sflag:s14] =	ssyncset.done $0x0  }
.LBB2_1:
0x28: {  	p0 =	sne.s32 s16, $0x1;
	s16 =	sadd.s32 $0xFFFFFFFF, s16;
	[sflag:s14] =	ssyncadd.s32 $0xFFFFFF80  }
0x29: {  	[tilespmem:s5], [sflag:$0x3] =	stream.linear.gather [hbm4b:s6+s5], $0x80, $0x38;
	[tilespmem:$0x4180] =	vst v63  }
0x2a: {  	_ =	swait.ge [sflag:s7], $0x80  }
0x2b: {  	[sflag:s7] =	ssyncset.done $0x0  }
0x2c: {  	[sflag:s7] =	ssyncadd.s32 $0xFFFFFF80  }
0x2d: {  	[tilespmem:s8], [sflag:$0x1] =	stream.indirect.gather [hbm4b:s1+s8], $0x80, s5, s8, $0xb8;
	[tilespmem:$0x4180] =	vst v63  }
0x2e: {  	_ = 	snop  }
0x2f: {  	[tilespmem:s9], [sflag:$0x1] =	stream.indirect.gather [hbm4b:s2+s8], $0x1, s5, s8, $0xb8;
	[tilespmem:$0x4180] =	vst v63  }
0x30: {  	_ = 	snop  }
0x31: {  	[tilespmem:s10], [sflag:$0x1] =	stream.indirect.gather [hbm4b:s4+s8], $0x1, s5, s8, $0xb8;
	[tilespmem:$0x4180] =	vst v63  }
0x32: {  	_ =	swait.ge [sflag:s11], $0x4000  }
0x33: {  	[sflag:s11] =	ssyncset.done $0x0  }
0x34: {  	[sflag:s11] =	ssyncadd.s32 $0xFFFFC000  }
0x35: {  	_ =	swait.ge [sflag:s11], $0x80  }
0x36: {  	[sflag:s11] =	ssyncset.done $0x0  }
0x37: {  	[sflag:s11] =	ssyncadd.s32 $0xFFFFFF80  }
0x38: {  	_ =	swait.ge [sflag:s11], $0x80  }
0x39: {  	[sflag:s11] =	ssyncset.done $0x0  }
0x3a: {  	[sflag:s11] =	ssyncadd.s32 $0xFFFFFF80  }
0x3b: {  	[hbm4b:s12+s5] =	stream.linear.scatter [tilespmem:s8], [sflag:$0x2], $0x4000, $0x38;
	[tilespmem:$0x4180] =	vst v63  }
0x3c: {  	_ = 	snop  }
0x3d: {  	[hbm4b:s13+s5] =	stream.linear.scatter [tilespmem:s9], [sflag:$0x2], $0x80, $0x38;
	[tilespmem:$0x4180] =	vst v63  }
0x3e: {  	_ = 	snop  }
0x3f: {  	[hbm4b:s15+s5] =	stream.linear.scatter [tilespmem:s10], [sflag:$0x2], $0x80, $0x38;
	[tilespmem:$0x4180] =	vst v63  }
0x40: {  	_ =	swait.ge [sflag:s14], $0x4000  }
0x41: {  	[sflag:s14] =	ssyncset.done $0x0  }
0x42: {  	[sflag:s14] =	ssyncadd.s32 $0xFFFFC000  }
.Ltmp1:
0x43: {  	_ =	swait.ge [sflag:s14], $0x80;
	(pc) =	sbr.rel @p0 .LBB2_1-.Ltmp1, $4  }
0x44: {  	[sflag:s14] =	ssyncset.done $0x0  }
0x45: {  	[sflag:s14] =	ssyncadd.s32 $0xFFFFFF80  }
0x46: {  	_ =	swait.ge [sflag:s14], $0x80  }
0x47: {  	[sflag:s14] =	ssyncset.done $0x0  }
.LBB2_2:
0x48: {  	[sflag:s14] =	ssyncadd.s32 $0xFFFFFF80  }
0x49: {  	_ =	sfence.sel $0x180000  }
0x4a: {  	[bflag:$0x0] =	sbarrier.arrive $0xFFFF  }
0x4b: {  	p0 =	sne.s32 s0, $0x0;
	_ =	strace $0x9000004A  }
0x4c: {  	s0 =	sadd.s32 @!p0 $0x100000, s3;
	[bflag:$0x2] =	sbarrier.arrive $0xFFFF  }
0x4d: {  	[sflag:s0] =	ssyncadd.tile.s32 @!p0 $0x1;
	_ =	shalt  }
.Lfunc_end2:
_tile_overlayer_lowered:
.L_overlay_start_2:
0x4e: {  	(tag) =	ssettag $0x2  }
0x4f: {  	s0 =	rddreg [dreg:$0x0];
	s2 =	stileid.u32  }
0x50: {  	s1 =	rddreg [dreg:$0x1];
	p0 =	sne.s32 s2, $0x0  }
0x51: {  	s3 =	rddreg [dreg:$0x2];
	[bflag:$0x3] =	sbarrier.arrive $0xFFFF;
	s2 =	simm.s32 @!p0 $0x1C03  }
0x52: {  	[timem:s3], [sflag:s2] =	dma.local @!p0 [hbm:s0], s1  }
0x53: {  	s0 =	simm.s32 @!p0 $0x3  }
0x54: {  	_ =	swait.ge @!p0 [sflag:s0], s1  }
0x55: {  	s1 =	ssub.s32 @!p0 $0x0, s1;
	[sflag:s0] =	ssyncset.done @!p0 $0x0  }
0x56: {  	[sflag:s0] =	ssyncadd.s32 @!p0 s1  }
0x57: {  	[bflag:$0x3] =	sbarrier.arrive $0xFFFF  }
0x58: {  	_ =	shalt  }

// kernel: kernel.14.cloned.1.call-start
scs
__scs_entry_jumppad:
0x0: {  	(pc) =	sbr.rel $0x88, $3  }
0x1: {  	(tag) =	ssettag $0x0;
	lr =	simm.s32 $0x1  }
0x2: {  	[smem:$0x3F99] =	sst lr;
	_ =	strace $0xD0000000  }
0x3: {  	_ = 	snop  }
0x4: {  	_ = 	snop  }
0x5: {  	_ = 	snop  }
0x6: {  	_ = 	snop  }
0x7: {  	_ = 	snop  }
__scs_overlays_trampoline_lowered:
0x8: {  	[smem:$0x3FA8] =	sst s0  }
0x9: {  	[smem:$0x3FA9] =	sst s1  }
0xa: {  	[smem:$0x3FAA] =	sst s2  }
0xb: {  	[smem:$0x3FAB] =	sst s3  }
0xc: {  	[smem:$0x3FAC] =	sst s4  }
0xd: {  	[smem:$0x3FAD] =	sst s5  }
0xe: {  	[smem:$0x3FAE] =	sst s6  }
0xf: {  	[smem:$0x3FAF] =	sst s7  }
0x10: {  	[smem:$0x3FB0] =	sst s8  }
0x11: {  	[smem:$0x3FB1] =	sst s9;
	s0 =	simm.s32 @!p0 $0x0  }
0x12: {  	s1 =	sld [smem:$0x3F97];
	s0 =	simm.s32 @p0 $0x1  }
0x13: {  	[smem:$0x3FB2] =	sst s0;
	s0 =	simm.s32 @!p1 $0x0  }
0x14: {  	s2 =	sld [smem:$0x3F96];
	s0 =	simm.s32 @p1 $0x1  }
0x15: {  	[smem:$0x3FB3] =	sst s0;
	s0 =	simm.s32 @!p2 $0x0  }
0x16: {  	s3 =	sld [smem:$0x3FDB];
	s0 =	simm.s32 @p2 $0x1  }
0x17: {  	s4 =	simm.s32 $0x1BF5;
	[smem:$0x3FB5] =	sst s0  }
0x18: {  	s0 =	sld [smem:$0x3F98];
	_ =	swait.ge [sflag:s4], $0x0  }
0x19: {  	s7 =	sld [smem:$0x3F99]  }
0x1a: {  	s8 =	sadd.s32 $0xFFFFE003, lr  }
0x1b: {  	s9 =	sadd.s32 $0xFFFFFEF7, lr;
	s5 =	simm.s32 $0xFFFFFFFF;
	p2 =	slt.u32 s8, $0xFFFFF086  }
0x1c: {  	p1 =	slt.u32 s9, $0xF7A;
	s5 =	simm.s32 @!p2 $0x0  }
0x1d: {  	s5 =	simm.s32 @p1 $0x1;
	p0 =	seq.s32 s7, s2  }
0x1e: {  	s7 =	smul.u32 @!p0 $0xF7A, s2;
	p2 =	seq.s32 @!p0 s5, $0x0  }
0x1f: {  	s9 =	smul.u32 $0xF7A, s1;
	s8 =	simm.s32 @!p0 $0x1BF5;
	p2 =	por !p2, p0  }
0x20: {  	[sflag:s8] =	ssyncset.s32 @!p0 $0xFFFFF086;
	s6 =	sadd.s32 @!p0 s3, s7;
	s7 =	simm.s32 @!p0 $0x108  }
0x21: {  	s3 =	sadd.s32 s3, s9;
	s6 =	sadd.s32 @!p0 $0x88, s6;
	s7 =	simm.s32 @p2 $0x1082  }
0x22: {  	[simem:s7], [sflag:s8] =	dma.local @!p0 [hbm:s6], $0xF7A  }
0x23: {  	s9 =	sor.u32 $0xD0000000, s2;
	s6 =	simm.s32 $0x108;
	_ =	swait.ge @!p0 [sflag:s8], $0x0  }
0x24: {  	s3 =	sadd.s32 $0x88, s3;
	s6 =	simm.s32 @!p1 $0x1082;
	[sflag:s4] =	ssyncset.s32 $0xFFFFF086  }
0x25: {  	[simem:s6], [sflag:s4] =	dma.local [hbm:s3], $0xF7A  }
0x26: {  	[smem:$0x3F99] =	sst s1;
	(tag) =	ssettag s2;
	_ =	strace s9  }
0x27: {  	s1 =	sld [smem:$0x3FA9]  }
0x28: {  	s2 =	sld [smem:$0x3FAA]  }
0x29: {  	s4 =	sld [smem:$0x3FAC]  }
0x2a: {  	p0 =	seq.s32 s5, $0x0;
	s5 =	sld [smem:$0x3FAD]  }
0x2b: {  	s6 =	sld [smem:$0x3FAE]  }
0x2c: {  	s7 =	sld [smem:$0x3FAF]  }
0x2d: {  	s3 =	simm.s32 $0x108;
	s8 =	sld [smem:$0x3FB0]  }
0x2e: {  	s3 =	simm.s32 @!p0 $0x1082;
	s9 =	sld [smem:$0x3FB1]  }
0x2f: {  	lr =	sadd.s32 s0, s3;
	s0 =	sld [smem:$0x3FA8]  }
0x30: {  	s3 =	sld [smem:$0x3FAB]  }
0x31: {  	[smem:$0x3FB4] =	sst s10  }
0x32: {  	s10 =	sld [smem:$0x3FB2];
	_ =	sdelay $0x3  }
0x33: {  	p0 =	seq.s32 s10, $0x1;
	s10 =	sld [smem:$0x3FB4];
	_ =	sdelay $0x3  }
0x34: {  	[smem:$0x3FB4] =	sst s10  }
0x35: {  	s10 =	sld [smem:$0x3FB3];
	_ =	sdelay $0x3  }
0x36: {  	p1 =	seq.s32 s10, $0x1;
	s10 =	sld [smem:$0x3FB4];
	_ =	sdelay $0x3  }
0x37: {  	[smem:$0x3FB4] =	sst s10  }
0x38: {  	s10 =	sld [smem:$0x3FB5]  }
0x39: {  	_ = 	snop;
	(pc) =	sbr.ind lr, $3  }
0x3a: {  	_ = 	snop  }
0x3b: {  	_ = 	snop  }
0x3c: {  	p2 =	seq.s32 s10, $0x1;
	s10 =	sld [smem:$0x3FB4]  }
0x3d: {  	_ =	shalt  }
0x3e: {  	_ =	shalt  }
0x3f: {  	_ =	shalt  }
0x40: {  	_ =	shalt  }
0x41: {  	_ =	shalt  }
0x42: {  	_ =	shalt  }
0x43: {  	_ =	shalt  }
0x44: {  	_ =	shalt  }
0x45: {  	_ =	shalt  }
0x46: {  	_ =	shalt  }
0x47: {  	_ =	shalt  }
0x48: {  	_ =	shalt  }
0x49: {  	_ =	shalt  }
0x4a: {  	_ =	shalt  }
0x4b: {  	_ =	shalt  }
0x4c: {  	_ =	shalt  }
0x4d: {  	_ =	shalt  }
0x4e: {  	_ =	shalt  }
0x4f: {  	_ =	shalt  }
0x50: {  	_ =	shalt  }
0x51: {  	_ =	shalt  }
0x52: {  	_ =	shalt  }
0x53: {  	_ =	shalt  }
0x54: {  	_ =	shalt  }
0x55: {  	_ =	shalt  }
0x56: {  	_ =	shalt  }
0x57: {  	_ =	shalt  }
0x58: {  	_ =	shalt  }
0x59: {  	_ =	shalt  }
0x5a: {  	_ =	shalt  }
0x5b: {  	_ =	shalt  }
0x5c: {  	_ =	shalt  }
0x5d: {  	_ =	shalt  }
0x5e: {  	_ =	shalt  }
0x5f: {  	_ =	shalt  }
0x60: {  	_ =	shalt  }
0x61: {  	_ =	shalt  }
0x62: {  	_ =	shalt  }
0x63: {  	_ =	shalt  }
0x64: {  	_ =	shalt  }
0x65: {  	_ =	shalt  }
0x66: {  	_ =	shalt  }
0x67: {  	_ =	shalt  }
0x68: {  	_ =	shalt  }
0x69: {  	_ =	shalt  }
0x6a: {  	_ =	shalt  }
0x6b: {  	_ =	shalt  }
0x6c: {  	_ =	shalt  }
0x6d: {  	_ =	shalt  }
0x6e: {  	_ =	shalt  }
0x6f: {  	_ =	shalt  }
0x70: {  	_ =	shalt  }
0x71: {  	_ =	shalt  }
0x72: {  	_ =	shalt  }
0x73: {  	_ =	shalt  }
0x74: {  	_ =	shalt  }
0x75: {  	_ =	shalt  }
0x76: {  	_ =	shalt  }
0x77: {  	_ =	shalt  }
0x78: {  	_ =	shalt  }
0x79: {  	_ =	shalt  }
0x7a: {  	_ =	shalt  }
0x7b: {  	_ =	shalt  }
0x7c: {  	_ =	shalt  }
0x7d: {  	_ =	shalt  }
0x7e: {  	_ =	shalt  }
0x7f: {  	_ =	shalt  }
0x80: {  	_ =	shalt  }
0x81: {  	_ =	shalt  }
0x82: {  	_ =	shalt  }
0x83: {  	_ =	shalt  }
0x84: {  	_ =	shalt  }
0x85: {  	_ =	shalt  }
0x86: {  	_ =	shalt  }
0x87: {  	_ =	shalt  }
.Lfunc_end0:
.L_simem_size_0:
called_computation.2_lowered:
.L_overlay_start_0:
0x88: {  	s2 =	sld [smem:$0x3FD9]  }
0x89: {  	s3 =	sld [smem:$0x3FFE];
	_ =	sdelay $0x1  }
0x8a: {  	s1 =	srdreg.scid  }
0x8b: {  	s0 =	sand.u32 $0x1, s1  }
0x8c: {  	s17 =	sshll.u32 s0, $0xA;
	s2 =	sadd.s32 s3, s2  }
0x8d: {  	s2 =	sadd.s32 s2, s17  }
0x8e: {  	[smem:$0x3FC0] =	sst s2  }
0x8f: {  	_ = 	snop  }
0x90: {  	s18 =	sld [smem:$0x3FC9]  }
0x91: {  	s4 =	sld [smem:$0x3FC8]  }
0x92: {  	s5 =	sld [smem:$0x3FC7]  }
0x93: {  	s6 =	sld [smem:$0x3FC6];
	(tm) =	ssettm $0x1  }
0x94: {  	s19 =	sld [smem:$0x3FFB];
	_ =	sdelay $0x3  }
0x95: {  	_ =	strace s19  }
0x96: {  	s2 =	sld [smem:$0x3FFC];
	_ =	sdelay $0x3  }
0x97: {  	_ =	strace s2  }
0x98: {  	s2 =	sld [smem:$0x3FFD];
	_ =	sdelay $0x3  }
0x99: {  	_ =	strace s2  }
0x9a: {  	_ =	strace $0x8FFFFFFF  }
0x9b: {  	s20 =	sld [smem:$0x3FDB];
	_ =	sdelay $0x1  }
0x9c: {  	s7 =	simm.s32 $_scs_section_size  }
0x9d: {  	s8 =	simm.s32 $_size__tile_overlayer_lowered;
	s9 =	simm.s32 $_tile_overlayer_lowered  }
0x9e: {  	s10 =	simm.s32 $0x1BFF;
	s21 =	sshll.u32 s9, $0x1;
	s7 =	sadd.s32 s7, s20  }
0x9f: {  	s22 =	simm.s32 $0x0;
	s8 =	sshll.u32 s8, $0x1;
	s9 =	sadd.s32 s21, s7  }
0xa0: {  	[timem:s22], [sflag:s10] =	dma.local [hbm:s9], s8  }
0xa1: {  	_ =	swait.ge [sflag:s10], s8  }
0xa2: {  	s8 =	ssub.s32 $0x0, s8;
	[sflag:s10] =	ssyncset.done $0x0  }
0xa3: {  	[sflag:s10] =	ssyncadd.s32 s8;
	_ =	sdelay $0x1  }
0xa4: {  	s23 =	simm.s32 $0x1B8B  }
0xa5: {  	_ =	swait.ge [sflag:s23], $0x1  }
0xa6: {  	[sflag:s23] =	ssyncset.done $0x0  }
0xa7: {  	[sflag:s23] =	ssyncadd.s32 $0xFFFFFFFF  }
0xa8: {  	s8 =	sld [smem:$0x0]  }
0xa9: {  	s9 =	sand.u32 $0xFFFFFFFE, s1  }
0xaa: {  	p0 =	sne.s32 s1, s9  }
0xab: {  	s9 =	sshll.u32 @p0 s9, $0xE  }
0xac: {  	s9 =	sadd.s32 @p0 $0x11B8D, s9;
	s10 =	sshll.u32 @p0 s8, $0x11  }
0xad: {  	s9 =	sor.u32 @p0 s10, s9  }
0xae: {  	[sflag:s9] =	ssyncadd.remote.s32 @p0 $0x1;
	_ =	sdelay $0x1  }
0xaf: {  	s9 =	simm.s32 @p0 $0x1B8D  }
0xb0: {  	_ =	swait.eq @p0 [sflag:s9], $0x1  }
0xb1: {  	[sflag:s9] =	ssyncadd.s32 @p0 $0xFFFFFFFF  }
0xb2: {  	s10 =	sshll.u32 @!p0 s1, $0xE  }
0xb3: {  	s10 =	sor.u32 @!p0 $0x4000, s10;
	s9 =	simm.s32 @!p0 $0x1B8D  }
0xb4: {  	s8 =	sshll.u32 @!p0 s8, $0x11;
	s10 =	sadd.s32 @!p0 $0x11B8D, s10;
	_ =	swait.eq @!p0 [sflag:s9], $0x1  }
0xb5: {  	s8 =	sor.u32 @!p0 s8, s10;
	[sflag:s9] =	ssyncadd.s32 @!p0 $0xFFFFFFFF  }
0xb6: {  	s25 =	simm.s32 $0x1B8E;
	s24 =	sld [smem:$0x3FFE];
	[sflag:s8] =	ssyncadd.remote.s32 @!p0 $0x1  }
0xb7: {  	s26 =	simm.s32 $execute0_lowered;
	[smem:$0x3FD2] =	sst s25  }
0xb8: {  	s9 =	sshll.u32 s26, $0x1;
	_ =	strace $0x8000004C;
	[dreg:$0x1] =	wrdreg $0xFFFFFFFF  }
0xb9: {  	s28 =	simm.s32 $_size_execute0_lowered;
	s7 =	sadd.s32 s7, s9;
	[dreg:$0x0] =	wrdreg $0x0  }
0xba: {  	s9 =	sshll.u32 s28, $0x1;
	[dreg:$0x2] =	wrdreg s7  }
0xbb: {  	[dreg:$0x3] =	wrdreg s9  }
0xbc: {  	[dreg:$0x4] =	wrdreg $0xC0  }
0xbd: {  	_ =	task [dreg:s22], $0x5FFFF  }
0xbe: {  	[dreg:$0x1] =	wrdreg $0xFFFFFFFF  }
0xbf: {  	[dreg:$0x0] =	wrdreg $0x60  }
0xc0: {  	[dreg:$0x2] =	wrdreg s18  }
0xc1: {  	[dreg:$0x3] =	wrdreg s4  }
0xc2: {  	[dreg:$0x4] =	wrdreg s5  }
0xc3: {  	[dreg:$0x5] =	wrdreg s6  }
0xc4: {  	[dreg:$0x6] =	wrdreg s24  }
0xc5: {  	[dreg:$0x7] =	wrdreg $0xB  }
0xc6: {  	_ =	task.clear_ibuf [dreg:s22], $0x8FFFF;
	_ =	strace $0x9000004C  }
0xc7: {  	s29 =	simm.s32 $0xB;
	_ =	strace $0x8000004E  }
0xc8: {  	_ =	swait.ge [sflag:s29], $0x1  }
0xc9: {  	[sflag:s29] =	ssyncadd.s32 $0xFFFFFFFF  }
0xca: {  	_ =	strace $0x9000004E  }
0xcb: {  	_ =	sfence  }
0xcc: {  	s30 =	sld [smem:$0x0];
	_ =	sdelay $0x2  }
0xcd: {  	s31 =	sshll.u32 s1, $0xD;
	s1 =	sshrl.u32 s1, $0x2  }
0xce: {  	s4 =	sand.u32 $0x4000, s31;
	s1 =	sadd.s32 s1, s30  }
0xcf: {  	s0 =	sor.u32 s4, s0;
	s1 =	sshll.u32 s1, $0x11  }
0xd0: {  	s0 =	sor.u32 s1, s0  }
0xd1: {  	s0 =	sadd.s32 $0x8F2B, s0  }
0xd2: {  	[sflag:s0] =	ssyncadd.remote.s32 $0x1  }
0xd3: {  	_ =	sfence.sel $0xFFFF  }
0xd4: {  	[dreg:$0x0] =	wrdreg $0xFFFFFFFF;
	(pc) =	sbr.abs _section_cstart, $3  }
0xd5: {  	[dreg:$0x1] =	wrdreg $0xFFFFFFFF  }
0xd6: {  	_ =	task.clear_ibuf [dreg:s22], $0x2FFFF;
	_ =	strace $0x9FFFFFFF  }
0xd7: {  	(tm) =	ssettm $0x7FFFFFFF  }
tec
execute0_lowered:
.L_overlay_start_1:
0x0: {  	(tag) =	ssettag $0x1  }
0x1: {  	s6 =	rddreg [dreg:$0x0]  }
0x2: {  	s1 =	rddreg [dreg:$0x1];
	s3 =	srdreg.scid  }
0x3: {  	s2 =	rddreg [dreg:$0x2];
	s0 =	stileid.u32;
	s16 =	sand.u32 $0x1, s3  }
0x4: {  	s4 =	rddreg [dreg:$0x3];
	s31 =	sshll.u32 s0, $0x8;
	s5 =	sshll.u32 s16, $0x7  }
0x5: {  	s12 =	rddreg [dreg:$0x4];
	s13 =	sor.u32 s5, s31  }
0x6: {  	s3 =	rddreg [dreg:$0x5];
	s5 =	simm.s32 $0x0;
	s7 =	sshrl.u32 s13, $0x3  }
0x7: {  	[smem:$0x7FF] =	sst s5;
	s6 =	sadd.s32 s7, s6  }
0x8: {  	_ =	strace $0x8000004D;
	s7 =	simm.s32 $0x3;
	s6 =	sadd.s32 $0x600, s6  }
0x9: {  	[tilespmem:s5], [sflag:$0x3] =	stream.linear.gather [hbm4b:s6+s5], $0x80, $0x38;
	[tilespmem:$0x4180] =	vst v63  }
0xa: {  	_ =	swait.ge [sflag:s7], $0x80  }
0xb: {  	[sflag:s7] =	ssyncset.done $0x0  }
0xc: {  	s8 =	simm.s32 $0x80;
	[sflag:s7] =	ssyncadd.s32 $0xFFFFFF80  }
0xd: {  	[tilespmem:s8], [sflag:$0x1] =	stream.indirect.gather [hbm4b:s1+s8], $0x80, s5, s8, $0xb8;
	[tilespmem:$0x4180] =	vst v63  }
0xe: {  	s9 =	simm.s32 $0x4080  }
0xf: {  	[tilespmem:s9], [sflag:$0x1] =	stream.indirect.gather [hbm4b:s2+s8], $0x1, s5, s8, $0xb8;
	[tilespmem:$0x4180] =	vst v63  }
0x10: {  	s10 =	simm.s32 $0x4100;
	s11 =	simm.s32 $0x1  }
0x11: {  	[tilespmem:s10], [sflag:$0x1] =	stream.indirect.gather [hbm4b:s4+s8], $0x1, s5, s8, $0xb8;
	[tilespmem:$0x4180] =	vst v63  }
0x12: {  	_ =	swait.ge [sflag:s11], $0x4000  }
0x13: {  	[sflag:s11] =	ssyncset.done $0x0  }
0x14: {  	[sflag:s11] =	ssyncadd.s32 $0xFFFFC000  }
0x15: {  	_ =	swait.ge [sflag:s11], $0x80  }
0x16: {  	[sflag:s11] =	ssyncset.done $0x0  }
0x17: {  	[sflag:s11] =	ssyncadd.s32 $0xFFFFFF80  }
0x18: {  	s14 =	sshll.u32 s13, $0x4;
	_ =	swait.ge [sflag:s11], $0x80  }
0x19: {  	s13 =	sshrl.u32 s13, $0x2;
	s14 =	sadd.s32 s14, s12;
	[sflag:s11] =	ssyncset.done $0x0  }
0x1a: {  	s15 =	sadd.s32 s13, s12;
	s12 =	sadd.s32 $0x13800, s14;
	[sflag:s11] =	ssyncadd.s32 $0xFFFFFF80  }
0x1b: {  	[hbm4b:s12+s5] =	stream.linear.scatter [tilespmem:s8], [sflag:$0x2], $0x4000, $0x38;
	[tilespmem:$0x4180] =	vst v63  }
0x1c: {  	s16 =	ssub.s32 $0x2, s16;
	s13 =	sadd.s32 $0x23800, s15  }
0x1d: {  	[hbm4b:s13+s5] =	stream.linear.scatter [tilespmem:s9], [sflag:$0x2], $0x80, $0x38;
	[tilespmem:$0x4180] =	vst v63  }
0x1e: {  	s17 =	sshrl.u32 s16, $0x1;
	s15 =	sadd.s32 $0x23810, s15;
	s14 =	simm.s32 $0x2  }
0x1f: {  	[hbm4b:s15+s5] =	stream.linear.scatter [tilespmem:s10], [sflag:$0x2], $0x80, $0x38;
	[tilespmem:$0x4180] =	vst v63  }
0x20: {  	s16 =	ssub.s32 s16, s17;
	_ =	swait.ge [sflag:s14], $0x4000  }
0x21: {  	s16 =	smax.u32 s16, $0x1;
	[sflag:s14] =	ssyncset.done $0x0  }
0x22: {  	p0 =	sne.s32 s16, $0x1;
	[sflag:s14] =	ssyncadd.s32 $0xFFFFC000  }
.Ltmp0:
0x23: {  	_ =	swait.ge [sflag:s14], $0x80;
	(pc) =	sbr.rel @!p0 .LBB2_2-.Ltmp0, $4  }
0x24: {  	[sflag:s14] =	ssyncset.done $0x0  }
0x25: {  	[sflag:s14] =	ssyncadd.s32 $0xFFFFFF80  }
0x26: {  	_ =	swait.ge [sflag:s14], $0x80  }
0x27: {  	s16 =	sadd.s32 $0xFFFFFFFF, s16;
	[sflag:s14] =	ssyncset.done $0x0  }
.LBB2_1:
0x28: {  	p0 =	sne.s32 s16, $0x1;
	s16 =	sadd.s32 $0xFFFFFFFF, s16;
	[sflag:s14] =	ssyncadd.s32 $0xFFFFFF80  }
0x29: {  	[tilespmem:s5], [sflag:$0x3] =	stream.linear.gather [hbm4b:s6+s5], $0x80, $0x38;
	[tilespmem:$0x4180] =	vst v63  }
0x2a: {  	_ =	swait.ge [sflag:s7], $0x80  }
0x2b: {  	[sflag:s7] =	ssyncset.done $0x0  }
0x2c: {  	[sflag:s7] =	ssyncadd.s32 $0xFFFFFF80  }
0x2d: {  	[tilespmem:s8], [sflag:$0x1] =	stream.indirect.gather [hbm4b:s1+s8], $0x80, s5, s8, $0xb8;
	[tilespmem:$0x4180] =	vst v63  }
0x2e: {  	_ = 	snop  }
0x2f: {  	[tilespmem:s9], [sflag:$0x1] =	stream.indirect.gather [hbm4b:s2+s8], $0x1, s5, s8, $0xb8;
	[tilespmem:$0x4180] =	vst v63  }
0x30: {  	_ = 	snop  }
0x31: {  	[tilespmem:s10], [sflag:$0x1] =	stream.indirect.gather [hbm4b:s4+s8], $0x1, s5, s8, $0xb8;
	[tilespmem:$0x4180] =	vst v63  }
0x32: {  	_ =	swait.ge [sflag:s11], $0x4000  }
0x33: {  	[sflag:s11] =	ssyncset.done $0x0  }
0x34: {  	[sflag:s11] =	ssyncadd.s32 $0xFFFFC000  }
0x35: {  	_ =	swait.ge [sflag:s11], $0x80  }
0x36: {  	[sflag:s11] =	ssyncset.done $0x0  }
0x37: {  	[sflag:s11] =	ssyncadd.s32 $0xFFFFFF80  }
0x38: {  	_ =	swait.ge [sflag:s11], $0x80  }
0x39: {  	[sflag:s11] =	ssyncset.done $0x0  }
0x3a: {  	[sflag:s11] =	ssyncadd.s32 $0xFFFFFF80  }
0x3b: {  	[hbm4b:s12+s5] =	stream.linear.scatter [tilespmem:s8], [sflag:$0x2], $0x4000, $0x38;
	[tilespmem:$0x4180] =	vst v63  }
0x3c: {  	_ = 	snop  }
0x3d: {  	[hbm4b:s13+s5] =	stream.linear.scatter [tilespmem:s9], [sflag:$0x2], $0x80, $0x38;
	[tilespmem:$0x4180] =	vst v63  }
0x3e: {  	_ = 	snop  }
0x3f: {  	[hbm4b:s15+s5] =	stream.linear.scatter [tilespmem:s10], [sflag:$0x2], $0x80, $0x38;
	[tilespmem:$0x4180] =	vst v63  }
0x40: {  	_ =	swait.ge [sflag:s14], $0x4000  }
0x41: {  	[sflag:s14] =	ssyncset.done $0x0  }
0x42: {  	[sflag:s14] =	ssyncadd.s32 $0xFFFFC000  }
.Ltmp1:
0x43: {  	_ =	swait.ge [sflag:s14], $0x80;
	(pc) =	sbr.rel @p0 .LBB2_1-.Ltmp1, $4  }
0x44: {  	[sflag:s14] =	ssyncset.done $0x0  }
0x45: {  	[sflag:s14] =	ssyncadd.s32 $0xFFFFFF80  }
0x46: {  	_ =	swait.ge [sflag:s14], $0x80  }
0x47: {  	[sflag:s14] =	ssyncset.done $0x0  }
.LBB2_2:
0x48: {  	[sflag:s14] =	ssyncadd.s32 $0xFFFFFF80  }
0x49: {  	_ =	sfence.sel $0x180000  }
0x4a: {  	[bflag:$0x0] =	sbarrier.arrive $0xFFFF  }
0x4b: {  	p0 =	sne.s32 s0, $0x0;
	_ =	strace $0x9000004D  }
0x4c: {  	s0 =	sadd.s32 @!p0 $0x100000, s3;
	[bflag:$0x2] =	sbarrier.arrive $0xFFFF  }
0x4d: {  	[sflag:s0] =	ssyncadd.tile.s32 @!p0 $0x1;
	_ =	shalt  }
.Lfunc_end2:
_tile_overlayer_lowered:
.L_overlay_start_2:
0x4e: {  	(tag) =	ssettag $0x2  }
0x4f: {  	s0 =	rddreg [dreg:$0x0];
	s2 =	stileid.u32  }
0x50: {  	s1 =	rddreg [dreg:$0x1];
	p0 =	sne.s32 s2, $0x0  }
0x51: {  	s3 =	rddreg [dreg:$0x2];
	[bflag:$0x3] =	sbarrier.arrive $0xFFFF;
	s2 =	simm.s32 @!p0 $0x1C03  }
0x52: {  	[timem:s3], [sflag:s2] =	dma.local @!p0 [hbm:s0], s1  }
0x53: {  	s0 =	simm.s32 @!p0 $0x3  }
0x54: {  	_ =	swait.ge @!p0 [sflag:s0], s1  }
0x55: {  	s1 =	ssub.s32 @!p0 $0x0, s1;
	[sflag:s0] =	ssyncset.done @!p0 $0x0  }
0x56: {  	[sflag:s0] =	ssyncadd.s32 @!p0 s1  }
0x57: {  	[bflag:$0x3] =	sbarrier.arrive $0xFFFF  }
0x58: {  	_ =	shalt  }

// kernel: kernel.8.cloned.1.call-start
scs
__scs_entry_jumppad:
0x0: {  	(pc) =	sbr.rel $0x88, $3  }
0x1: {  	(tag) =	ssettag $0x0;
	lr =	simm.s32 $0x1  }
0x2: {  	[smem:$0x3F99] =	sst lr;
	_ =	strace $0xD0000000  }
0x3: {  	_ = 	snop  }
0x4: {  	_ = 	snop  }
0x5: {  	_ = 	snop  }
0x6: {  	_ = 	snop  }
0x7: {  	_ = 	snop  }
__scs_overlays_trampoline_lowered:
0x8: {  	[smem:$0x3FA8] =	sst s0  }
0x9: {  	[smem:$0x3FA9] =	sst s1  }
0xa: {  	[smem:$0x3FAA] =	sst s2  }
0xb: {  	[smem:$0x3FAB] =	sst s3  }
0xc: {  	[smem:$0x3FAC] =	sst s4  }
0xd: {  	[smem:$0x3FAD] =	sst s5  }
0xe: {  	[smem:$0x3FAE] =	sst s6  }
0xf: {  	[smem:$0x3FAF] =	sst s7  }
0x10: {  	[smem:$0x3FB0] =	sst s8  }
0x11: {  	[smem:$0x3FB1] =	sst s9;
	s0 =	simm.s32 @!p0 $0x0  }
0x12: {  	s1 =	sld [smem:$0x3F97];
	s0 =	simm.s32 @p0 $0x1  }
0x13: {  	[smem:$0x3FB2] =	sst s0;
	s0 =	simm.s32 @!p1 $0x0  }
0x14: {  	s2 =	sld [smem:$0x3F96];
	s0 =	simm.s32 @p1 $0x1  }
0x15: {  	[smem:$0x3FB3] =	sst s0;
	s0 =	simm.s32 @!p2 $0x0  }
0x16: {  	s3 =	sld [smem:$0x3FDB];
	s0 =	simm.s32 @p2 $0x1  }
0x17: {  	s4 =	simm.s32 $0x1BF5;
	[smem:$0x3FB5] =	sst s0  }
0x18: {  	s0 =	sld [smem:$0x3F98];
	_ =	swait.ge [sflag:s4], $0x0  }
0x19: {  	s7 =	sld [smem:$0x3F99]  }
0x1a: {  	s8 =	sadd.s32 $0xFFFFE003, lr  }
0x1b: {  	s9 =	sadd.s32 $0xFFFFFEF7, lr;
	s5 =	simm.s32 $0xFFFFFFFF;
	p2 =	slt.u32 s8, $0xFFFFF086  }
0x1c: {  	p1 =	slt.u32 s9, $0xF7A;
	s5 =	simm.s32 @!p2 $0x0  }
0x1d: {  	s5 =	simm.s32 @p1 $0x1;
	p0 =	seq.s32 s7, s2  }
0x1e: {  	s7 =	smul.u32 @!p0 $0xF7A, s2;
	p2 =	seq.s32 @!p0 s5, $0x0  }
0x1f: {  	s9 =	smul.u32 $0xF7A, s1;
	s8 =	simm.s32 @!p0 $0x1BF5;
	p2 =	por !p2, p0  }
0x20: {  	[sflag:s8] =	ssyncset.s32 @!p0 $0xFFFFF086;
	s6 =	sadd.s32 @!p0 s3, s7;
	s7 =	simm.s32 @!p0 $0x108  }
0x21: {  	s3 =	sadd.s32 s3, s9;
	s6 =	sadd.s32 @!p0 $0x88, s6;
	s7 =	simm.s32 @p2 $0x1082  }
0x22: {  	[simem:s7], [sflag:s8] =	dma.local @!p0 [hbm:s6], $0xF7A  }
0x23: {  	s9 =	sor.u32 $0xD0000000, s2;
	s6 =	simm.s32 $0x108;
	_ =	swait.ge @!p0 [sflag:s8], $0x0  }
0x24: {  	s3 =	sadd.s32 $0x88, s3;
	s6 =	simm.s32 @!p1 $0x1082;
	[sflag:s4] =	ssyncset.s32 $0xFFFFF086  }
0x25: {  	[simem:s6], [sflag:s4] =	dma.local [hbm:s3], $0xF7A  }
0x26: {  	[smem:$0x3F99] =	sst s1;
	(tag) =	ssettag s2;
	_ =	strace s9  }
0x27: {  	s1 =	sld [smem:$0x3FA9]  }
0x28: {  	s2 =	sld [smem:$0x3FAA]  }
0x29: {  	s4 =	sld [smem:$0x3FAC]  }
0x2a: {  	p0 =	seq.s32 s5, $0x0;
	s5 =	sld [smem:$0x3FAD]  }
0x2b: {  	s6 =	sld [smem:$0x3FAE]  }
0x2c: {  	s7 =	sld [smem:$0x3FAF]  }
0x2d: {  	s3 =	simm.s32 $0x108;
	s8 =	sld [smem:$0x3FB0]  }
0x2e: {  	s3 =	simm.s32 @!p0 $0x1082;
	s9 =	sld [smem:$0x3FB1]  }
0x2f: {  	lr =	sadd.s32 s0, s3;
	s0 =	sld [smem:$0x3FA8]  }
0x30: {  	s3 =	sld [smem:$0x3FAB]  }
0x31: {  	[smem:$0x3FB4] =	sst s10  }
0x32: {  	s10 =	sld [smem:$0x3FB2];
	_ =	sdelay $0x3  }
0x33: {  	p0 =	seq.s32 s10, $0x1;
	s10 =	sld [smem:$0x3FB4];
	_ =	sdelay $0x3  }
0x34: {  	[smem:$0x3FB4] =	sst s10  }
0x35: {  	s10 =	sld [smem:$0x3FB3];
	_ =	sdelay $0x3  }
0x36: {  	p1 =	seq.s32 s10, $0x1;
	s10 =	sld [smem:$0x3FB4];
	_ =	sdelay $0x3  }
0x37: {  	[smem:$0x3FB4] =	sst s10  }
0x38: {  	s10 =	sld [smem:$0x3FB5]  }
0x39: {  	_ = 	snop;
	(pc) =	sbr.ind lr, $3  }
0x3a: {  	_ = 	snop  }
0x3b: {  	_ = 	snop  }
0x3c: {  	p2 =	seq.s32 s10, $0x1;
	s10 =	sld [smem:$0x3FB4]  }
0x3d: {  	_ =	shalt  }
0x3e: {  	_ =	shalt  }
0x3f: {  	_ =	shalt  }
0x40: {  	_ =	shalt  }
0x41: {  	_ =	shalt  }
0x42: {  	_ =	shalt  }
0x43: {  	_ =	shalt  }
0x44: {  	_ =	shalt  }
0x45: {  	_ =	shalt  }
0x46: {  	_ =	shalt  }
0x47: {  	_ =	shalt  }
0x48: {  	_ =	shalt  }
0x49: {  	_ =	shalt  }
0x4a: {  	_ =	shalt  }
0x4b: {  	_ =	shalt  }
0x4c: {  	_ =	shalt  }
0x4d: {  	_ =	shalt  }
0x4e: {  	_ =	shalt  }
0x4f: {  	_ =	shalt  }
0x50: {  	_ =	shalt  }
0x51: {  	_ =	shalt  }
0x52: {  	_ =	shalt  }
0x53: {  	_ =	shalt  }
0x54: {  	_ =	shalt  }
0x55: {  	_ =	shalt  }
0x56: {  	_ =	shalt  }
0x57: {  	_ =	shalt  }
0x58: {  	_ =	shalt  }
0x59: {  	_ =	shalt  }
0x5a: {  	_ =	shalt  }
0x5b: {  	_ =	shalt  }
0x5c: {  	_ =	shalt  }
0x5d: {  	_ =	shalt  }
0x5e: {  	_ =	shalt  }
0x5f: {  	_ =	shalt  }
0x60: {  	_ =	shalt  }
0x61: {  	_ =	shalt  }
0x62: {  	_ =	shalt  }
0x63: {  	_ =	shalt  }
0x64: {  	_ =	shalt  }
0x65: {  	_ =	shalt  }
0x66: {  	_ =	shalt  }
0x67: {  	_ =	shalt  }
0x68: {  	_ =	shalt  }
0x69: {  	_ =	shalt  }
0x6a: {  	_ =	shalt  }
0x6b: {  	_ =	shalt  }
0x6c: {  	_ =	shalt  }
0x6d: {  	_ =	shalt  }
0x6e: {  	_ =	shalt  }
0x6f: {  	_ =	shalt  }
0x70: {  	_ =	shalt  }
0x71: {  	_ =	shalt  }
0x72: {  	_ =	shalt  }
0x73: {  	_ =	shalt  }
0x74: {  	_ =	shalt  }
0x75: {  	_ =	shalt  }
0x76: {  	_ =	shalt  }
0x77: {  	_ =	shalt  }
0x78: {  	_ =	shalt  }
0x79: {  	_ =	shalt  }
0x7a: {  	_ =	shalt  }
0x7b: {  	_ =	shalt  }
0x7c: {  	_ =	shalt  }
0x7d: {  	_ =	shalt  }
0x7e: {  	_ =	shalt  }
0x7f: {  	_ =	shalt  }
0x80: {  	_ =	shalt  }
0x81: {  	_ =	shalt  }
0x82: {  	_ =	shalt  }
0x83: {  	_ =	shalt  }
0x84: {  	_ =	shalt  }
0x85: {  	_ =	shalt  }
0x86: {  	_ =	shalt  }
0x87: {  	_ =	shalt  }
.Lfunc_end0:
.L_simem_size_0:
called_computation_lowered:
.L_overlay_start_0:
0x88: {  	s2 =	sld [smem:$0x3FD9]  }
0x89: {  	s3 =	sld [smem:$0x3FFE];
	_ =	sdelay $0x1  }
0x8a: {  	s1 =	srdreg.scid  }
0x8b: {  	s0 =	sand.u32 $0x1, s1  }
0x8c: {  	s17 =	sshll.u32 s0, $0xA;
	s2 =	sadd.s32 s3, s2  }
0x8d: {  	s2 =	sadd.s32 s2, s17  }
0x8e: {  	[smem:$0x3FC0] =	sst s2  }
0x8f: {  	_ = 	snop  }
0x90: {  	s2 =	sld [smem:$0x3FC9]  }
0x91: {  	s18 =	sld [smem:$0x3FC8]  }
0x92: {  	s4 =	sld [smem:$0x3FC7]  }
0x93: {  	s5 =	sld [smem:$0x3FC6]  }
0x94: {  	s6 =	sld [smem:$0x3FD0];
	(tm) =	ssettm $0x1  }
0x95: {  	s7 =	sld [smem:$0x3FFB];
	_ =	sdelay $0x3  }
0x96: {  	_ =	strace s7  }
0x97: {  	s7 =	sld [smem:$0x3FFC];
	_ =	sdelay $0x3  }
0x98: {  	_ =	strace s7  }
0x99: {  	s7 =	sld [smem:$0x3FFD];
	_ =	sdelay $0x3  }
0x9a: {  	_ =	strace s7  }
0x9b: {  	_ =	strace $0x8FFFFFFF  }
0x9c: {  	s19 =	sld [smem:$0x3FDB];
	_ =	sdelay $0x1  }
0x9d: {  	s8 =	simm.s32 $_scs_section_size  }
0x9e: {  	s9 =	simm.s32 $_size__tile_overlayer_lowered;
	s10 =	simm.s32 $_tile_overlayer_lowered  }
0x9f: {  	s22 =	simm.s32 $0x1BFF;
	s21 =	sshll.u32 s10, $0x1;
	s7 =	sadd.s32 s8, s19  }
0xa0: {  	s11 =	simm.s32 $0x0;
	s20 =	sshll.u32 s9, $0x1;
	s9 =	sadd.s32 s21, s7  }
0xa1: {  	[timem:s11], [sflag:s22] =	dma.local [hbm:s9], s20  }
0xa2: {  	_ =	swait.ge [sflag:s22], s20  }
0xa3: {  	s8 =	ssub.s32 $0x0, s20;
	[sflag:s22] =	ssyncset.done $0x0  }
0xa4: {  	[sflag:s22] =	ssyncadd.s32 s8;
	_ =	sdelay $0x1  }
0xa5: {  	s23 =	simm.s32 $0x1B8B  }
0xa6: {  	_ =	swait.ge [sflag:s23], $0x1  }
0xa7: {  	[sflag:s23] =	ssyncset.done $0x0  }
0xa8: {  	s25 =	simm.s32 $0x1B8E;
	s24 =	sld [smem:$0x3FFE];
	[sflag:s23] =	ssyncadd.s32 $0xFFFFFFFF  }
0xa9: {  	s26 =	simm.s32 $execute0_lowered;
	[smem:$0x3FD2] =	sst s25  }
0xaa: {  	s9 =	sshll.u32 s26, $0x1;
	_ =	strace $0x80000046;
	[dreg:$0x1] =	wrdreg $0xFFFFFFFF  }
0xab: {  	s28 =	simm.s32 $_size_execute0_lowered;
	s7 =	sadd.s32 s7, s9;
	[dreg:$0x0] =	wrdreg $0x0  }
0xac: {  	s9 =	sshll.u32 s28, $0x1;
	[dreg:$0x2] =	wrdreg s7  }
0xad: {  	[dreg:$0x3] =	wrdreg s9  }
0xae: {  	[dreg:$0x4] =	wrdreg $0xC0  }
0xaf: {  	_ =	task [dreg:s11], $0x5FFFF  }
0xb0: {  	[dreg:$0x1] =	wrdreg $0xFFFFFFFF  }
0xb1: {  	[dreg:$0x0] =	wrdreg $0x60  }
0xb2: {  	[dreg:$0x2] =	wrdreg s2  }
0xb3: {  	[dreg:$0x3] =	wrdreg s18  }
0xb4: {  	[dreg:$0x4] =	wrdreg s4  }
0xb5: {  	[dreg:$0x5] =	wrdreg s5  }
0xb6: {  	[dreg:$0x6] =	wrdreg s6  }
0xb7: {  	[dreg:$0x7] =	wrdreg s24  }
0xb8: {  	[dreg:$0x8] =	wrdreg $0x9  }
0xb9: {  	_ =	task.clear_ibuf [dreg:s11], $0x9FFFF;
	_ =	strace $0x90000046  }
0xba: {  	s29 =	simm.s32 $0x9;
	_ =	strace $0x80000048  }
0xbb: {  	_ =	swait.ge [sflag:s29], $0x1  }
0xbc: {  	[sflag:s29] =	ssyncadd.s32 $0xFFFFFFFF  }
0xbd: {  	_ =	strace $0x90000048  }
0xbe: {  	_ =	sfence  }
0xbf: {  	s30 =	sld [smem:$0x0];
	_ =	sdelay $0x2  }
0xc0: {  	s31 =	sshll.u32 s1, $0xD;
	s1 =	sshrl.u32 s1, $0x2  }
0xc1: {  	s3 =	sand.u32 $0x4000, s31;
	s1 =	sadd.s32 s1, s30  }
0xc2: {  	s0 =	sor.u32 s3, s0;
	s1 =	sshll.u32 s1, $0x11  }
0xc3: {  	s0 =	sor.u32 s1, s0  }
0xc4: {  	s0 =	sadd.s32 $0x8F2B, s0  }
0xc5: {  	[sflag:s0] =	ssyncadd.remote.s32 $0x1  }
0xc6: {  	_ =	sfence.sel $0xFFFF  }
0xc7: {  	[dreg:$0x0] =	wrdreg $0xFFFFFFFF;
	(pc) =	sbr.abs _section_cstart, $3  }
0xc8: {  	[dreg:$0x1] =	wrdreg $0xFFFFFFFF  }
0xc9: {  	_ =	task.clear_ibuf [dreg:s11], $0x2FFFF;
	_ =	strace $0x9FFFFFFF  }
0xca: {  	(tm) =	ssettm $0x7FFFFFFF  }
0xcb: {  	_ =	shalt  }
tec
execute0_lowered:
.L_overlay_start_1:
0x0: {  	(tag) =	ssettag $0x1  }
0x1: {  	s8 =	rddreg [dreg:$0x0]  }
0x2: {  	s1 =	rddreg [dreg:$0x1]  }
0x3: {  	s2 =	rddreg [dreg:$0x2]  }
0x4: {  	s3 =	rddreg [dreg:$0x3];
	s4 =	srdreg.scid  }
0x5: {  	s18 =	rddreg [dreg:$0x4];
	s0 =	stileid.u32;
	s22 =	sand.u32 $0x1, s4  }
0x6: {  	s19 =	rddreg [dreg:$0x5];
	s6 =	sshll.u32 s0, $0x9;
	s7 =	sshll.u32 s22, $0x8  }
0x7: {  	s5 =	simm.s32 $0x0;
	s4 =	rddreg [dreg:$0x6];
	s20 =	sor.u32 s7, s6  }
0x8: {  	[smem:$0x7FF] =	sst s5;
	s6 =	sshrl.u32 s20, $0x3  }
0x9: {  	_ =	strace $0x80000047;
	s7 =	simm.s32 $0x3;
	s6 =	sadd.s32 s8, s6  }
0xa: {  	[tilespmem:s5], [sflag:$0x3] =	stream.linear.gather [hbm4b:s6+s5], $0x80, $0x38;
	[tilespmem:$0x8300] =	vst v63  }
0xb: {  	s21 =	sor.u32 $0x80, s20;
	_ =	swait.ge [sflag:s7], $0x80  }
0xc: {  	s9 =	sshrl.u32 s21, $0x3;
	[sflag:s7] =	ssyncset.done $0x0  }
0xd: {  	s8 =	sadd.s32 s8, s9;
	s9 =	simm.s32 $0x80;
	[sflag:s7] =	ssyncadd.s32 $0xFFFFFF80  }
0xe: {  	[tilespmem:s9], [sflag:$0x3] =	stream.linear.gather [hbm4b:s8+s5], $0x80, $0x38;
	[tilespmem:$0x8300] =	vst v63  }
0xf: {  	_ =	swait.ge [sflag:s7], $0x80  }
0x10: {  	[sflag:s7] =	ssyncset.done $0x0  }
0x11: {  	s10 =	simm.s32 $0x100;
	[sflag:s7] =	ssyncadd.s32 $0xFFFFFF80  }
0x12: {  	[tilespmem:s10], [sflag:$0x1] =	stream.indirect.gather [hbm4b:s1+s9], $0x80, s5, s9, $0xb8;
	[tilespmem:$0x8300] =	vst v63  }
0x13: {  	s11 =	simm.s32 $0x8100  }
0x14: {  	[tilespmem:s11], [sflag:$0x1] =	stream.indirect.gather [hbm4b:s2+s9], $0x1, s5, s9, $0xb8;
	[tilespmem:$0x8300] =	vst v63  }
0x15: {  	s12 =	simm.s32 $0x8200  }
0x16: {  	[tilespmem:s12], [sflag:$0x1] =	stream.indirect.gather [hbm4b:s3+s9], $0x1, s5, s9, $0xb8;
	[tilespmem:$0x8300] =	vst v63  }
0x17: {  	s13 =	simm.s32 $0x4100  }
0x18: {  	[tilespmem:s13], [sflag:$0x1] =	stream.indirect.gather [hbm4b:s1+s9], $0x80, s9, s9, $0xb8;
	[tilespmem:$0x8300] =	vst v63  }
0x19: {  	s14 =	simm.s32 $0x8180  }
0x1a: {  	[tilespmem:s14], [sflag:$0x1] =	stream.indirect.gather [hbm4b:s2+s9], $0x1, s9, s9, $0xb8;
	[tilespmem:$0x8300] =	vst v63  }
0x1b: {  	s15 =	simm.s32 $0x8280;
	s16 =	simm.s32 $0x1  }
0x1c: {  	[tilespmem:s15], [sflag:$0x1] =	stream.indirect.gather [hbm4b:s3+s9], $0x1, s9, s9, $0xb8;
	[tilespmem:$0x8300] =	vst v63  }
0x1d: {  	_ =	swait.ge [sflag:s16], $0x4000  }
0x1e: {  	[sflag:s16] =	ssyncset.done $0x0  }
0x1f: {  	[sflag:s16] =	ssyncadd.s32 $0xFFFFC000  }
0x20: {  	_ =	swait.ge [sflag:s16], $0x80  }
0x21: {  	[sflag:s16] =	ssyncset.done $0x0  }
0x22: {  	[sflag:s16] =	ssyncadd.s32 $0xFFFFFF80  }
0x23: {  	_ =	swait.ge [sflag:s16], $0x80  }
0x24: {  	s17 =	sshll.u32 s20, $0x4;
	[sflag:s16] =	ssyncset.done $0x0  }
0x25: {  	s17 =	sadd.s32 s18, s17;
	[sflag:s16] =	ssyncadd.s32 $0xFFFFFF80  }
0x26: {  	[hbm4b:s17+s5] =	stream.linear.scatter [tilespmem:s10], [sflag:$0x2], $0x4000, $0x38;
	[tilespmem:$0x8300] =	vst v63  }
0x27: {  	_ =	swait.ge [sflag:s16], $0x4000  }
0x28: {  	[sflag:s16] =	ssyncset.done $0x0  }
0x29: {  	[sflag:s16] =	ssyncadd.s32 $0xFFFFC000  }
0x2a: {  	_ =	swait.ge [sflag:s16], $0x80  }
0x2b: {  	[sflag:s16] =	ssyncset.done $0x0  }
0x2c: {  	[sflag:s16] =	ssyncadd.s32 $0xFFFFFF80  }
0x2d: {  	_ =	swait.ge [sflag:s16], $0x80  }
0x2e: {  	s20 =	sshrl.u32 s20, $0x2;
	s21 =	sshll.u32 s21, $0x4;
	[sflag:s16] =	ssyncset.done $0x0  }
0x2f: {  	s20 =	sadd.s32 s20, s19;
	s18 =	sadd.s32 s18, s21;
	[sflag:s16] =	ssyncadd.s32 $0xFFFFFF80  }
0x30: {  	[hbm4b:s18+s5] =	stream.linear.scatter [tilespmem:s13], [sflag:$0x2], $0x4000, $0x38;
	[tilespmem:$0x8300] =	vst v63  }
0x31: {  	s19 =	sadd.s32 $0x2C00, s20  }
0x32: {  	[hbm4b:s19+s9] =	stream.strided.scatter [tilespmem:s11], [sflag:$0x2], $0x100, s10, s9, $0x38;
	[tilespmem:$0x8300] =	vst v63  }
0x33: {  	s21 =	sadd.s32 $0x2C10, s20;
	s20 =	simm.s32 $0x2  }
0x34: {  	[hbm4b:s21+s9] =	stream.strided.scatter [tilespmem:s12], [sflag:$0x2], $0x100, s10, s9, $0x38;
	[tilespmem:$0x8300] =	vst v63  }
0x35: {  	_ =	swait.ge [sflag:s20], $0x4000  }
0x36: {  	s22 =	ssub.s32 $0x2, s22;
	[sflag:s20] =	ssyncset.done $0x0  }
0x37: {  	s23 =	sshrl.u32 s22, $0x1;
	[sflag:s20] =	ssyncadd.s32 $0xFFFFC000  }
0x38: {  	s22 =	ssub.s32 s22, s23;
	_ =	swait.ge [sflag:s20], $0x4000  }
0x39: {  	s22 =	smax.u32 s22, $0x1;
	[sflag:s20] =	ssyncset.done $0x0  }
0x3a: {  	p0 =	sne.s32 s22, $0x1;
	[sflag:s20] =	ssyncadd.s32 $0xFFFFC000  }
.Ltmp0:
0x3b: {  	_ =	swait.ge [sflag:s20], $0x100;
	(pc) =	sbr.rel @!p0 .LBB2_2-.Ltmp0, $4  }
0x3c: {  	[sflag:s20] =	ssyncset.done $0x0  }
0x3d: {  	[sflag:s20] =	ssyncadd.s32 $0xFFFFFF00  }
0x3e: {  	_ =	swait.ge [sflag:s20], $0x100  }
0x3f: {  	s22 =	sadd.s32 $0xFFFFFFFF, s22;
	[sflag:s20] =	ssyncset.done $0x0  }
.LBB2_1:
0x40: {  	p0 =	sne.s32 s22, $0x1;
	s22 =	sadd.s32 $0xFFFFFFFF, s22;
	[sflag:s20] =	ssyncadd.s32 $0xFFFFFF00  }
0x41: {  	[tilespmem:s5], [sflag:$0x3] =	stream.linear.gather [hbm4b:s6+s5], $0x80, $0x38;
	[tilespmem:$0x8300] =	vst v63  }
0x42: {  	_ =	swait.ge [sflag:s7], $0x80  }
0x43: {  	[sflag:s7] =	ssyncset.done $0x0  }
0x44: {  	[sflag:s7] =	ssyncadd.s32 $0xFFFFFF80  }
0x45: {  	[tilespmem:s9], [sflag:$0x3] =	stream.linear.gather [hbm4b:s8+s5], $0x80, $0x38;
	[tilespmem:$0x8300] =	vst v63  }
0x46: {  	_ =	swait.ge [sflag:s7], $0x80  }
0x47: {  	[sflag:s7] =	ssyncset.done $0x0  }
0x48: {  	[sflag:s7] =	ssyncadd.s32 $0xFFFFFF80  }
0x49: {  	[tilespmem:s10], [sflag:$0x1] =	stream.indirect.gather [hbm4b:s1+s9], $0x80, s5, s9, $0xb8;
	[tilespmem:$0x8300] =	vst v63  }
0x4a: {  	_ = 	snop  }
0x4b: {  	[tilespmem:s11], [sflag:$0x1] =	stream.indirect.gather [hbm4b:s2+s9], $0x1, s5, s9, $0xb8;
	[tilespmem:$0x8300] =	vst v63  }
0x4c: {  	_ = 	snop  }
0x4d: {  	[tilespmem:s12], [sflag:$0x1] =	stream.indirect.gather [hbm4b:s3+s9], $0x1, s5, s9, $0xb8;
	[tilespmem:$0x8300] =	vst v63  }
0x4e: {  	_ = 	snop  }
0x4f: {  	[tilespmem:s13], [sflag:$0x1] =	stream.indirect.gather [hbm4b:s1+s9], $0x80, s9, s9, $0xb8;
	[tilespmem:$0x8300] =	vst v63  }
0x50: {  	_ = 	snop  }
0x51: {  	[tilespmem:s14], [sflag:$0x1] =	stream.indirect.gather [hbm4b:s2+s9], $0x1, s9, s9, $0xb8;
	[tilespmem:$0x8300] =	vst v63  }
0x52: {  	_ = 	snop  }
0x53: {  	[tilespmem:s15], [sflag:$0x1] =	stream.indirect.gather [hbm4b:s3+s9], $0x1, s9, s9, $0xb8;
	[tilespmem:$0x8300] =	vst v63  }
0x54: {  	_ =	swait.ge [sflag:s16], $0x4000  }
0x55: {  	[sflag:s16] =	ssyncset.done $0x0  }
0x56: {  	[sflag:s16] =	ssyncadd.s32 $0xFFFFC000  }
0x57: {  	_ =	swait.ge [sflag:s16], $0x80  }
0x58: {  	[sflag:s16] =	ssyncset.done $0x0  }
0x59: {  	[sflag:s16] =	ssyncadd.s32 $0xFFFFFF80  }
0x5a: {  	_ =	swait.ge [sflag:s16], $0x80  }
0x5b: {  	[sflag:s16] =	ssyncset.done $0x0  }
0x5c: {  	[sflag:s16] =	ssyncadd.s32 $0xFFFFFF80  }
0x5d: {  	[hbm4b:s17+s5] =	stream.linear.scatter [tilespmem:s10], [sflag:$0x2], $0x4000, $0x38;
	[tilespmem:$0x8300] =	vst v63  }
0x5e: {  	_ =	swait.ge [sflag:s16], $0x4000  }
0x5f: {  	[sflag:s16] =	ssyncset.done $0x0  }
0x60: {  	[sflag:s16] =	ssyncadd.s32 $0xFFFFC000  }
0x61: {  	_ =	swait.ge [sflag:s16], $0x80  }
0x62: {  	[sflag:s16] =	ssyncset.done $0x0  }
0x63: {  	[sflag:s16] =	ssyncadd.s32 $0xFFFFFF80  }
0x64: {  	_ =	swait.ge [sflag:s16], $0x80  }
0x65: {  	[sflag:s16] =	ssyncset.done $0x0  }
0x66: {  	[sflag:s16] =	ssyncadd.s32 $0xFFFFFF80  }
0x67: {  	[hbm4b:s18+s5] =	stream.linear.scatter [tilespmem:s13], [sflag:$0x2], $0x4000, $0x38;
	[tilespmem:$0x8300] =	vst v63  }
0x68: {  	_ = 	snop  }
0x69: {  	[hbm4b:s19+s9] =	stream.strided.scatter [tilespmem:s11], [sflag:$0x2], $0x100, s10, s9, $0x38;
	[tilespmem:$0x8300] =	vst v63  }
0x6a: {  	_ = 	snop  }
0x6b: {  	[hbm4b:s21+s9] =	stream.strided.scatter [tilespmem:s12], [sflag:$0x2], $0x100, s10, s9, $0x38;
	[tilespmem:$0x8300] =	vst v63  }
0x6c: {  	_ =	swait.ge [sflag:s20], $0x4000  }
0x6d: {  	[sflag:s20] =	ssyncset.done $0x0  }
0x6e: {  	[sflag:s20] =	ssyncadd.s32 $0xFFFFC000  }
0x6f: {  	_ =	swait.ge [sflag:s20], $0x4000  }
0x70: {  	[sflag:s20] =	ssyncset.done $0x0  }
0x71: {  	[sflag:s20] =	ssyncadd.s32 $0xFFFFC000  }
.Ltmp1:
0x72: {  	_ =	swait.ge [sflag:s20], $0x100;
	(pc) =	sbr.rel @p0 .LBB2_1-.Ltmp1, $4  }
0x73: {  	[sflag:s20] =	ssyncset.done $0x0  }
0x74: {  	[sflag:s20] =	ssyncadd.s32 $0xFFFFFF00  }
0x75: {  	_ =	swait.ge [sflag:s20], $0x100  }
0x76: {  	[sflag:s20] =	ssyncset.done $0x0  }
.LBB2_2:
0x77: {  	[sflag:s20] =	ssyncadd.s32 $0xFFFFFF00  }
0x78: {  	_ =	sfence.sel $0x180000  }
0x79: {  	[bflag:$0x0] =	sbarrier.arrive $0xFFFF  }
0x7a: {  	p0 =	sne.s32 s0, $0x0;
	_ =	strace $0x90000047  }
0x7b: {  	s0 =	sadd.s32 @!p0 $0x100000, s4;
	[bflag:$0x2] =	sbarrier.arrive $0xFFFF  }
0x7c: {  	[sflag:s0] =	ssyncadd.tile.s32 @!p0 $0x1;
	_ =	shalt  }
.Lfunc_end2:
_tile_overlayer_lowered:
.L_overlay_start_2:
0x7d: {  	(tag) =	ssettag $0x2  }
0x7e: {  	s0 =	rddreg [dreg:$0x0];
	s2 =	stileid.u32  }
0x7f: {  	s1 =	rddreg [dreg:$0x1];
	p0 =	sne.s32 s2, $0x0  }
0x80: {  	s3 =	rddreg [dreg:$0x2];
	[bflag:$0x3] =	sbarrier.arrive $0xFFFF;
	s2 =	simm.s32 @!p0 $0x1C03  }
0x81: {  	[timem:s3], [sflag:s2] =	dma.local @!p0 [hbm:s0], s1  }
0x82: {  	s0 =	simm.s32 @!p0 $0x3  }
0x83: {  	_ =	swait.ge @!p0 [sflag:s0], s1  }
0x84: {  	s1 =	ssub.s32 @!p0 $0x0, s1;
	[sflag:s0] =	ssyncset.done @!p0 $0x0  }
0x85: {  	[sflag:s0] =	ssyncadd.s32 @!p0 s1  }
0x86: {  	[bflag:$0x3] =	sbarrier.arrive $0xFFFF  }
0x87: {  	_ =	shalt  }

</sc_bundles>
